<compile_context>
chip_gen: v7x
topology: tpu7x:2x2x1
jax: 0.10.2.dev20260603
libtpu: 0.0.44.dev20260713+nightly
codegen_flags: <defaults>
</compile_context>

<pallas_src>
import functools

import jax
import jax.numpy as jnp
from jax import lax
from jax.experimental import pallas as pl
from jax.experimental.pallas import tpu as pltpu
from jax.experimental.pallas import tpu_sc as plsc

N_DET = 5000
M_REF = 1000
C_IN = 256
SPATIAL = 49
FC_OUT = 1024

BN = 200
BM = 200

_GROUP = 8
_NGROUPS = N_DET // _GROUP
_NWORKERS = 32
_KMAX = -(-_NGROUPS // _NWORKERS)
_W1P = 1008
_W2P = 2016


def _pool_fc(xb, w1, b1, w2, b2):
    pooled = jnp.sum(xb, axis=0) / 49.0
    h = jnp.maximum(jnp.dot(pooled, w1, preferred_element_type=jnp.float32) + b1, 0.0)
    return jnp.dot(h, w2, preferred_element_type=jnp.float32) + b2


def _ref_kernel(rx_ref, w1_ref, b1_ref, w2_ref, b2_ref, rf_ref):
    rf_ref[...] = _pool_fc(rx_ref[...], w1_ref[...], b1_ref[...],
                           w2_ref[...], b2_ref[...])


def _main_kernel(x_ref, bb_ref, w1_ref, b1_ref, w2_ref, b2_ref,
                 rf_ref, refg_ref, prod_ref, ious_ref, dxy_ref):
    xf = _pool_fc(x_ref[...], w1_ref[...], b1_ref[...], w2_ref[...], b2_ref[...])
    prod_ref[...] = lax.dot_general(
        xf, rf_ref[...], (((1,), (1,)), ((), ())),
        preferred_element_type=jnp.float32)

    bb = bb_ref[...]
    x1 = bb[:, 0:1]
    y1 = bb[:, 1:2]
    x2 = bb[:, 2:3]
    y2 = bb[:, 3:4]
    cx = (x1 + x2) / 2.0
    cy = (y1 + y2) / 2.0
    rg = refg_ref[...]
    rx1 = rg[0:1, :]
    ry1 = rg[1:2, :]
    rx2 = rg[2:3, :]
    ry2 = rg[3:4, :]
    rcx = rg[4:5, :]
    rcy = rg[5:6, :]
    areab = rg[6:7, :]
    dx = rcx - cx
    dy = rcy - cy
    sx1 = x1 + dx
    sy1 = y1 + dy
    sx2 = x2 + dx
    sy2 = y2 + dy
    wx = jnp.maximum(jnp.minimum(sx2, rx2) - jnp.maximum(sx1, rx1), 0.0)
    wy = jnp.maximum(jnp.minimum(sy2, ry2) - jnp.maximum(sy1, ry1), 0.0)
    ov = wx * wy
    areaa = (sx2 - sx1) * (sy2 - sy1)
    union = areaa + areab - ov
    ious_ref[...] = ov / jnp.maximum(union, 1e-6)

    col = jax.lax.broadcasted_iota(jnp.int32, (BN, M_REF + 1), 1)
    keep = col >= 1
    dxy_ref[0] = jnp.where(keep, dx, 0.0)
    dxy_ref[1] = jnp.where(keep, dy, 0.0)


_W1 = M_REF + 1
_W2 = 2 * M_REF + 2
_DSP_ST = _GROUP * _W2
_DX_ST = _GROUP * _W1


def _sc_distances(cxy_hbm, rcil_hbm, tails_hbm, dsp_hbm,
                  cxy_v, rcil_v, tails_v,
                  dspa_st, dspb_st, sema, semb):
    w = lax.axis_index("s") * 2 + lax.axis_index("c")
    gw_start = w * _KMAX
    pltpu.sync_copy(rcil_hbm, rcil_v)
    pltpu.sync_copy(tails_hbm, tails_v)
    pltpu.sync_copy(
        cxy_hbm.at[pl.ds(gw_start * _GROUP * 32, _KMAX * _GROUP * 32)], cxy_v)
    l16 = lax.iota(jnp.int32, 16)
    par = (l16 & 1) == 0
    m2 = l16 >= 2

    def compute_group(g, dsp_st, sem):
        lbase = (g - gw_start) * _GROUP

        @plsc.parallel_loop(0, _GROUP)
        def row_body(r):
            cxs = cxy_v[pl.ds((lbase + r) * 32, 16)]
            cys = cxy_v[pl.ds((lbase + r) * 32 + 16, 16)]
            csel = jnp.where(par, cxs, cys)
            od = r * _W2

            @plsc.parallel_loop(1, _W2 // 16, unroll=8)
            def dsp_chunk(c):
                dsp_st[pl.ds(od + c * 16, 16)] = rcil_v[pl.ds(c * 16, 16)] - csel
            dsp_st[pl.ds(od, 16)] = jnp.where(
                m2, rcil_v[pl.ds(0, 16)] - csel, 0.0)
            dsp_st[pl.ds(od + (_W2 - 16), 16)] = tails_v[pl.ds(0, 16)] - csel

        pltpu.async_copy(dsp_st, dsp_hbm.at[pl.ds(g * _DSP_ST, _DSP_ST)], sem)

    def drain(dsp_st, sem):
        pltpu.make_async_copy(dsp_st, dsp_hbm.at[pl.ds(0, _DSP_ST)], sem).wait()

    def pair_body(k, carry):
        ga = gw_start + 2 * k
        gb = ga + 1

        @pl.when(ga < _NGROUPS)
        def _():
            @pl.when(k > 0)
            def _():
                drain(dspa_st, sema)
            compute_group(ga, dspa_st, sema)

        @pl.when(gb < _NGROUPS)
        def _():
            @pl.when(k > 0)
            def _():
                drain(dspb_st, semb)
            compute_group(gb, dspb_st, semb)

        return carry

    lax.fori_loop(0, (_KMAX + 1) // 2, pair_body, 0)
    drain(dspa_st, sema)
    drain(dspb_st, semb)


def kernel(bboxes, ref_bboxes, x, ref_x, x_n, ref_x_n, W1, b1, W2, b2):
    del x_n, ref_x_n
    xt = jnp.transpose(x, (2, 3, 0, 1)).reshape(SPATIAL, N_DET, C_IN)
    rxt = jnp.transpose(ref_x, (2, 3, 0, 1)).reshape(SPATIAL, M_REF, C_IN)
    b1r = b1.reshape(1, FC_OUT)
    b2r = b2.reshape(1, FC_OUT)

    rf = pl.pallas_call(
        _ref_kernel,
        grid=(M_REF // BM,),
        in_specs=[
            pl.BlockSpec((SPATIAL, BM, C_IN), lambda i: (0, i, 0)),
            pl.BlockSpec((C_IN, FC_OUT), lambda i: (0, 0)),
            pl.BlockSpec((1, FC_OUT), lambda i: (0, 0)),
            pl.BlockSpec((FC_OUT, FC_OUT), lambda i: (0, 0)),
            pl.BlockSpec((1, FC_OUT), lambda i: (0, 0)),
        ],
        out_specs=pl.BlockSpec((BM, FC_OUT), lambda i: (i, 0)),
        out_shape=jax.ShapeDtypeStruct((M_REF, FC_OUT), jnp.float32),
        compiler_params=pltpu.CompilerParams(dimension_semantics=("arbitrary",), skip_device_barrier=True),
    )(rxt, W1, b1r, W2, b2r)

    rcx = (ref_bboxes[:, 0] + ref_bboxes[:, 2]) / 2.0
    rcy = (ref_bboxes[:, 1] + ref_bboxes[:, 3]) / 2.0
    areab = (ref_bboxes[:, 2] - ref_bboxes[:, 0]) * (ref_bboxes[:, 3] - ref_bboxes[:, 1])
    refg = jnp.pad(
        jnp.stack([ref_bboxes[:, 0], ref_bboxes[:, 1], ref_bboxes[:, 2],
                   ref_bboxes[:, 3], rcx, rcy, areab,
                   jnp.zeros((M_REF,), jnp.float32)], axis=0),
        ((0, 0), (1, 0)))

    rcil = jnp.pad(jnp.stack([rcx, rcy], axis=1).reshape(-1),
                   (2, _W2P - 2 * M_REF - 2))
    tails = rcil[_W2 - 16:_W2]
    cx = (bboxes[:, 0] + bboxes[:, 2]) / 2.0
    cy = (bboxes[:, 1] + bboxes[:, 3]) / 2.0
    cxy_rep = jnp.pad(
        jnp.broadcast_to(
            jnp.stack([cx, cy], axis=1)[:, :, None], (N_DET, 2, 16)
        ).reshape(N_DET * 32),
        (0, (_NWORKERS * _KMAX * _GROUP - N_DET) * 32))

    sck = functools.partial(
        pl.kernel,
        out_type=jax.ShapeDtypeStruct((N_DET * _W2,), jnp.float32),
        mesh=plsc.VectorSubcoreMesh(core_axis_name="c", subcore_axis_name="s"),
        compiler_params=pltpu.CompilerParams(needs_layout_passes=False),
        scratch_types=[
            pltpu.VMEM((_KMAX * _GROUP * 32,), jnp.float32),
            pltpu.VMEM((_W2P,), jnp.float32),
            pltpu.VMEM((16,), jnp.float32),
            pltpu.VMEM((_DSP_ST,), jnp.float32),
            pltpu.VMEM((_DSP_ST,), jnp.float32),
            pltpu.SemaphoreType.DMA,
            pltpu.SemaphoreType.DMA,
        ],
    )(_sc_distances)
    dsp1 = sck(cxy_rep, rcil, tails)
    dsp = dsp1.reshape(1, N_DET, _W2)

    prod, ious2, dxy = pl.pallas_call(
        _main_kernel,
        grid=(N_DET // BN,),
        in_specs=[
            pl.BlockSpec((SPATIAL, BN, C_IN), lambda i: (0, i, 0)),
            pl.BlockSpec((BN, 4), lambda i: (i, 0)),
            pl.BlockSpec((C_IN, FC_OUT), lambda i: (0, 0)),
            pl.BlockSpec((1, FC_OUT), lambda i: (0, 0)),
            pl.BlockSpec((FC_OUT, FC_OUT), lambda i: (0, 0)),
            pl.BlockSpec((1, FC_OUT), lambda i: (0, 0)),
            pl.BlockSpec((M_REF, FC_OUT), lambda i: (0, 0)),
            pl.BlockSpec((8, M_REF + 1), lambda i: (0, 0)),
        ],
        out_specs=[
            pl.BlockSpec((BN, M_REF), lambda i: (i, 0)),
            pl.BlockSpec((BN, M_REF + 1), lambda i: (i, 0)),
            pl.BlockSpec((2, BN, M_REF + 1), lambda i: (0, i, 0)),
        ],
        out_shape=[
            jax.ShapeDtypeStruct((N_DET, M_REF), jnp.float32),
            jax.ShapeDtypeStruct((N_DET, M_REF + 1), jnp.float32),
            jax.ShapeDtypeStruct((2, N_DET, M_REF + 1), jnp.float32),
        ],
        compiler_params=pltpu.CompilerParams(dimension_semantics=("arbitrary",), skip_device_barrier=True),
    )(xt, bboxes, W1, b1r, W2, b2r, rf, refg)

    return prod, ious2, dxy, dsp

# --- scband reference (transcript-rebuilt; emitter-appended) ---
"""Pipeline reference for scband-track-head-22187801051266 (READ-ONLY COPY).

The authoritative reference and input builder live on the scoring server;
editing this copy changes nothing except your own understanding.
"""

import jax, jax.numpy as jnp
import numpy as np

N_DET = 5000
M_REF = 1000
C_IN = 256
ROI = 7
FC_OUT = 1024

def setup_inputs(seed: int = 0):
    key = jax.random.key(seed)
    ks = jax.random.split(key, 10)
    xy = jax.random.uniform(ks[0], (N_DET, 2), dtype=jnp.float32) * 512.0
    wh = jax.random.uniform(ks[1], (N_DET, 2), dtype=jnp.float32) * 100.0 + 4.0
    bboxes = jnp.concatenate([xy, xy + wh], axis=1)
    rxy = jax.random.uniform(ks[2], (M_REF, 2), dtype=jnp.float32) * 512.0
    rwh = jax.random.uniform(ks[3], (M_REF, 2), dtype=jnp.float32) * 100.0 + 4.0
    ref_bboxes = jnp.concatenate([rxy, rxy + rwh], axis=1)
    x = jax.random.normal(ks[4], (N_DET, C_IN, ROI, ROI), dtype=jnp.float32)
    ref_x = jax.random.normal(ks[5], (M_REF, C_IN, ROI, ROI), dtype=jnp.float32)
    W1 = jax.random.normal(ks[6], (C_IN, FC_OUT), dtype=jnp.float32) * 0.01
    b1 = jnp.zeros((FC_OUT,), dtype=jnp.float32)
    W2 = jax.random.normal(ks[7], (FC_OUT, FC_OUT), dtype=jnp.float32) * 0.01
    b2 = jnp.zeros((FC_OUT,), dtype=jnp.float32)
    return {"bboxes": bboxes, "ref_bboxes": ref_bboxes, "x": x, "ref_x": ref_x,
            "x_n": N_DET, "ref_x_n": M_REF, "W1": W1, "b1": b1, "W2": W2, "b2": b2}

def _iou_elementwise(a, b):
    # a: [N, M, 4] shifted det boxes; b: [M, 4] ref boxes.
    # Equals column idx of bbox_overlaps(shifted_by_idx, ref_bboxes) for each idx,
    # which is exactly what the torch loop extracts into IoUs2[:, idx+1].
    lt = jnp.maximum(a[..., :2], b[None, :, :2])
    rb = jnp.minimum(a[..., 2:], b[None, :, 2:])
    wh = jnp.clip(rb - lt, 0.0, None)
    overlap = wh[..., 0] * wh[..., 1]
    area_a = (a[..., 2] - a[..., 0]) * (a[..., 3] - a[..., 1])
    area_b = (b[:, 2] - b[:, 0]) * (b[:, 3] - b[:, 1])
    union = area_a + area_b[None, :] - overlap
    return overlap / jnp.maximum(union, 1e-6)

def reference(bboxes, ref_bboxes, x, ref_x, x_n, ref_x_n, W1, b1, W2, b2):
    # with_avg_pool=True: AvgPool2d(7) over [*,256,7,7] -> [*,256], then flatten
    xf = jnp.mean(x, axis=(2, 3)).reshape(x.shape[0], -1)
    rf = jnp.mean(ref_x, axis=(2, 3)).reshape(ref_x.shape[0], -1)
    # fcs[0] + relu (idx 0 < num_fcs-1), fcs[1] no relu; fcs[-1] (Linear(1,2)) unused in forward
    xf = jnp.maximum(xf @ W1 + b1, 0.0)
    rf = jnp.maximum(rf @ W1 + b1, 0.0)
    xf = xf @ W2 + b2
    rf = rf @ W2 + b2
    # n = len(x_n) = 1 image; bboxes stacked to [1, N, 4]
    N = bboxes.shape[0]
    M = ref_bboxes.shape[0]
    centers = jnp.stack([(bboxes[:, 0] + bboxes[:, 2]) / 2.0,
                         (bboxes[:, 1] + bboxes[:, 3]) / 2.0], axis=1)
    ref_centers = jnp.stack([(ref_bboxes[:, 0] + ref_bboxes[:, 2]) / 2.0,
                             (ref_bboxes[:, 1] + ref_bboxes[:, 3]) / 2.0], axis=1)
    dist = ref_centers[None, :, :] - centers[:, None, :]  # [N, M, 2]
    distances_xy = jnp.zeros((2, N, M + 1), dtype=jnp.float32)
    distances_xy = distances_xy.at[0, :, 1:].set(dist[..., 0])
    distances_xy = distances_xy.at[1, :, 1:].set(dist[..., 1])
    shifted = bboxes[:, None, :] + jnp.concatenate([dist, dist], axis=-1)  # [N, M, 4]
    iou_cols = _iou_elementwise(shifted, ref_bboxes)  # [N, M]
    IoUs2 = jnp.zeros((N, M + 1), dtype=jnp.float32).at[:, 1:].set(iou_cols)
    # distances_split: starts as zeros [N,2], cat distance [N,2] per ref -> [N, 2*(M+1)], stacked to [1,N,2M+2]
    distances_split = jnp.concatenate([jnp.zeros((N, 2), dtype=jnp.float32),
                                       dist.reshape(N, 2 * M)], axis=1)[None, :, :]
    prod = xf @ rf.T  # [N, M] match affinity
    return prod, IoUs2, distances_xy, distances_split

if __name__ == "__main__":
    import jax
    _d = setup_inputs()
    print(jax.jit(kernel)(*tuple(_d.values())))

</pallas_src>

<mosaic_0001>
#map = affine_map<(d0, d1) -> (0)>
module attributes {stable_mosaic.version = 14 : i64} {
  func.func @_sc_distances(%arg0: i32, %arg1: i32, %arg2: memref<163840xf32, #tpu.memory_space<hbm>>, %arg3: memref<2016xf32, #tpu.memory_space<hbm>>, %arg4: memref<16xf32, #tpu.memory_space<hbm>>, %arg5: memref<10010000xf32, #tpu.memory_space<hbm>>, %arg6: memref<5120xf32, #tpu.memory_space<vmem>>, %arg7: memref<2016xf32, #tpu.memory_space<vmem>>, %arg8: memref<16xf32, #tpu.memory_space<vmem>>, %arg9: memref<16016xf32, #tpu.memory_space<vmem>>, %arg10: memref<16016xf32, #tpu.memory_space<vmem>>, %arg11: memref<!tpu.dma_semaphore, #tpu.memory_space<semaphore_mem>>, %arg12: memref<!tpu.dma_semaphore, #tpu.memory_space<semaphore_mem>>) attributes {dimension_semantics = [#tpu.dimension_semantics<core_parallel>, #tpu.dimension_semantics<subcore_parallel>], iteration_bounds = array<i64: 2, 16>, scalar_prefetch = 0 : i64, scratch_operands = 7 : i64, tpu.core_type = #tpu.core_type<sc_vector_subcore>, window_params = [{transform_indices = #map}, {transform_indices = #map}, {transform_indices = #map}, {transform_indices = #map}]} {
    %mul3A = arith.constant 2 : i32
    %mul3A_0 = arith.muli %arg1, %mul3A : i32
    %add3A = arith.addi %mul3A_0, %arg0 : i32
    %mul3A_1 = arith.constant 20 : i32
    %mul3A_2 = arith.muli %add3A, %mul3A_1 : i32
    "tpu.region"() ({
      %run_scoped3A = tpu.sem_alloc : memref<!tpu.dma_semaphore, #tpu.memory_space<semaphore_mem>>
      tpu.enqueue_dma source(%arg3 : memref<2016xf32, #tpu.memory_space<hbm>>) target(%arg7 : memref<2016xf32, #tpu.memory_space<vmem>>) target_semaphore(%run_scoped3A : memref<!tpu.dma_semaphore, #tpu.memory_space<semaphore_mem>>)
      tpu.wait_dma2 semaphore(%run_scoped3A : memref<!tpu.dma_semaphore, #tpu.memory_space<semaphore_mem>>) src(%arg3 : memref<2016xf32, #tpu.memory_space<hbm>>) dst(%arg7 : memref<2016xf32, #tpu.memory_space<vmem>>)
      tpu.yield
    }) : () -> ()
    "tpu.region"() ({
      %run_scoped3A = tpu.sem_alloc : memref<!tpu.dma_semaphore, #tpu.memory_space<semaphore_mem>>
      tpu.enqueue_dma source(%arg4 : memref<16xf32, #tpu.memory_space<hbm>>) target(%arg8 : memref<16xf32, #tpu.memory_space<vmem>>) target_semaphore(%run_scoped3A : memref<!tpu.dma_semaphore, #tpu.memory_space<semaphore_mem>>)
      tpu.wait_dma2 semaphore(%run_scoped3A : memref<!tpu.dma_semaphore, #tpu.memory_space<semaphore_mem>>) src(%arg4 : memref<16xf32, #tpu.memory_space<hbm>>) dst(%arg8 : memref<16xf32, #tpu.memory_space<vmem>>)
      tpu.yield
    }) : () -> ()
    %mul3A_3 = arith.constant 8 : i32
    %mul3A_4 = arith.muli %mul3A_2, %mul3A_3 : i32
    %mul3A_5 = arith.constant 32 : i32
    %mul3A_6 = arith.muli %mul3A_4, %mul3A_5 : i32
    "tpu.region"() ({
      %run_scoped3A = tpu.sem_alloc : memref<!tpu.dma_semaphore, #tpu.memory_space<semaphore_mem>>
      %dma_start3A = tpu.memref_slice %arg2[%mul3A_6] : memref<163840xf32, #tpu.memory_space<hbm>> -> memref<5120xf32, #tpu.memory_space<hbm>>
      %dma_start3A_25 = tpu.memref_slice %arg2[%mul3A_6] : memref<163840xf32, #tpu.memory_space<hbm>> -> memref<5120xf32, #tpu.memory_space<hbm>>
      tpu.enqueue_dma source(%dma_start3A_25 : memref<5120xf32, #tpu.memory_space<hbm>>) target(%arg6 : memref<5120xf32, #tpu.memory_space<vmem>>) target_semaphore(%run_scoped3A : memref<!tpu.dma_semaphore, #tpu.memory_space<semaphore_mem>>)
      %dma_wait3A_26 = tpu.memref_slice %arg2[%mul3A_6] : memref<163840xf32, #tpu.memory_space<hbm>> -> memref<5120xf32, #tpu.memory_space<hbm>>
      %dma_wait3A_27 = tpu.memref_slice %arg2[%mul3A_6] : memref<163840xf32, #tpu.memory_space<hbm>> -> memref<5120xf32, #tpu.memory_space<hbm>>
      tpu.wait_dma2 semaphore(%run_scoped3A : memref<!tpu.dma_semaphore, #tpu.memory_space<semaphore_mem>>) src(%dma_wait3A_27 : memref<5120xf32, #tpu.memory_space<hbm>>) dst(%arg6 : memref<5120xf32, #tpu.memory_space<vmem>>)
      tpu.yield
    }) : () -> ()
    %iota3A = tpu.iota {dimensions = array<i32: 0>} : vector<16xi32>
    %and3A = arith.constant 1 : i32
    %and3A_7 = vector.broadcast %and3A : i32 to vector<16xi32>
    %and3A_8 = arith.andi %iota3A, %and3A_7 : vector<16xi32>
    %eq3A = arith.constant 0 : i32
    %eq3A_9 = vector.broadcast %eq3A : i32 to vector<16xi32>
    %eq3A_10 = arith.cmpi eq, %and3A_8, %eq3A_9 : vector<16xi32>
    %ge3A = arith.constant 2 : i32
    %ge3A_11 = vector.broadcast %ge3A : i32 to vector<16xi32>
    %ge3A_12 = arith.cmpi sge, %iota3A, %ge3A_11 : vector<16xi32>
    %scan3A = arith.constant 0 : i32
    %scan3A_13 = arith.constant 0 : i32
    %scan3A_14 = arith.constant 10 : i32
    %scan3A_15 = arith.addi %scan3A_13, %scan3A_14 : i32
    %scan3A_16 = arith.constant 1 : i32
    scf.for %scan3A_25 = %scan3A_13 to %scan3A_15 step %scan3A_16  : i32 {
      %mul3A_26 = arith.constant 2 : i32
      %mul3A_27 = arith.muli %mul3A_26, %scan3A_25 : i32
      %add3A_28 = arith.addi %mul3A_2, %mul3A_27 : i32
      %add3A_29 = arith.constant 1 : i32
      %add3A_30 = arith.addi %add3A_28, %add3A_29 : i32
      %lt3A = arith.constant 625 : i32
      %lt3A_31 = arith.cmpi slt, %add3A_28, %lt3A : i32
      %convert_element_type3A = arith.extui %lt3A_31 : i1 to i32
      %cond3A = arith.constant 0 : i32
      %cond3A_32 = arith.cmpi ne, %convert_element_type3A, %cond3A : i32
      scf.if %cond3A_32 {
        %gt3A = arith.constant 0 : i32
        %gt3A_38 = arith.cmpi sgt, %scan3A_25, %gt3A : i32
        %convert_element_type3A_39 = arith.extui %gt3A_38 : i1 to i32
        %cond3A_40 = arith.constant 0 : i32
        %cond3A_41 = arith.cmpi ne, %convert_element_type3A_39, %cond3A_40 : i32
        scf.if %cond3A_41 {
          %dma_wait3A_49 = arith.constant 0 : i32
          %dma_wait3A_50 = tpu.memref_slice %arg5[%dma_wait3A_49] : memref<10010000xf32, #tpu.memory_space<hbm>> -> memref<16016xf32, #tpu.memory_space<hbm>>
          %dma_wait3A_51 = arith.constant 0 : i32
          %dma_wait3A_52 = tpu.memref_slice %arg5[%dma_wait3A_51] : memref<10010000xf32, #tpu.memory_space<hbm>> -> memref<16016xf32, #tpu.memory_space<hbm>>
          tpu.wait_dma2 semaphore(%arg11 : memref<!tpu.dma_semaphore, #tpu.memory_space<semaphore_mem>>) src(%arg9 : memref<16016xf32, #tpu.memory_space<vmem>>) dst(%dma_wait3A_52 : memref<16016xf32, #tpu.memory_space<hbm>>)
        } else {
        }
        %sub3A = arith.subi %add3A_28, %mul3A_2 : i32
        %mul3A_42 = arith.constant 8 : i32
        %mul3A_43 = arith.muli %sub3A, %mul3A_42 : i32
        %parallel_loop3A = arith.constant 0 : i32
        %parallel_loop3A_44 = arith.constant 8 : i32
        %parallel_loop3A_45 = arith.constant 1 : i32
        scf.for %parallel_loop3A_49 = %parallel_loop3A to %parallel_loop3A_44 step %parallel_loop3A_45  : i32 {
          %parallel_loop3A_50 = arith.addi %mul3A_43, %parallel_loop3A_49 : i32
          %parallel_loop3A_51 = arith.constant 32 : i32
          %parallel_loop3A_52 = arith.muli %parallel_loop3A_50, %parallel_loop3A_51 : i32
          %parallel_loop3A_53 = arith.index_cast %parallel_loop3A_52 : i32 to index
          %parallel_loop3A_54 = tpu.vector_load %arg6[%parallel_loop3A_53] {strides = array<i32>} : memref<5120xf32, #tpu.memory_space<vmem>>, vector<16xf32>,
          %parallel_loop3A_55 = arith.addi %mul3A_43, %parallel_loop3A_49 : i32
          %parallel_loop3A_56 = arith.constant 32 : i32
          %parallel_loop3A_57 = arith.muli %parallel_loop3A_55, %parallel_loop3A_56 : i32
          %parallel_loop3A_58 = arith.constant 16 : i32
          %parallel_loop3A_59 = arith.addi %parallel_loop3A_57, %parallel_loop3A_58 : i32
          %parallel_loop3A_60 = arith.index_cast %parallel_loop3A_59 : i32 to index
          %parallel_loop3A_61 = tpu.vector_load %arg6[%parallel_loop3A_60] {strides = array<i32>} : memref<5120xf32, #tpu.memory_space<vmem>>, vector<16xf32>,
          %parallel_loop3A_62 = arith.select %eq3A_10, %parallel_loop3A_54, %parallel_loop3A_61 : vector<16xi1>, vector<16xf32>
          %parallel_loop3A_63 = arith.constant 2002 : i32
          %parallel_loop3A_64 = arith.muli %parallel_loop3A_49, %parallel_loop3A_63 : i32
          %parallel_loop3A_65 = arith.constant 1 : i32
          %parallel_loop3A_66 = arith.constant 125 : i32
          %parallel_loop3A_67 = arith.constant 1 : i32
          scf.for %parallel_loop3A_83 = %parallel_loop3A_65 to %parallel_loop3A_66 step %parallel_loop3A_67  : i32 {
            %parallel_loop3A_84 = arith.constant 16 : i32
            %parallel_loop3A_85 = arith.muli %parallel_loop3A_83, %parallel_loop3A_84 : i32
            %parallel_loop3A_86 = arith.index_cast %parallel_loop3A_85 : i32 to index
            %parallel_loop3A_87 = tpu.vector_load %arg7[%parallel_loop3A_86] {strides = array<i32>} : memref<2016xf32, #tpu.memory_space<vmem>>, vector<16xf32>,
            %parallel_loop3A_88 = arith.subf %parallel_loop3A_87, %parallel_loop3A_62 : vector<16xf32>
            %parallel_loop3A_89 = arith.constant 16 : i32
            %parallel_loop3A_90 = arith.muli %parallel_loop3A_83, %parallel_loop3A_89 : i32
            %parallel_loop3A_91 = arith.addi %parallel_loop3A_64, %parallel_loop3A_90 : i32
            %parallel_loop3A_92 = arith.index_cast %parallel_loop3A_91 : i32 to index
            %parallel_loop3A_93 = tpu.vector_load %arg9[%parallel_loop3A_92] {strides = array<i32>} : memref<16016xf32, #tpu.memory_space<vmem>>, vector<16xf32>,
            tpu.vector_store %arg9[%parallel_loop3A_92], %parallel_loop3A_88 {strides = array<i32>} : memref<16016xf32, #tpu.memory_space<vmem>>, vector<16xf32>,
          } {sc.loop_unroll_factor = 8 : i64, sc.parallel_access}
          %parallel_loop3A_68 = arith.constant 0 : index
          %parallel_loop3A_69 = tpu.vector_load %arg7[%parallel_loop3A_68] {strides = array<i32>} : memref<2016xf32, #tpu.memory_space<vmem>>, vector<16xf32>,
          %parallel_loop3A_70 = arith.subf %parallel_loop3A_69, %parallel_loop3A_62 : vector<16xf32>
          %parallel_loop3A_71 = arith.constant 0.000000e+00 : f32
          %parallel_loop3A_72 = vector.broadcast %parallel_loop3A_71 : f32 to vector<16xf32>
          %parallel_loop3A_73 = arith.select %ge3A_12, %parallel_loop3A_70, %parallel_loop3A_72 : vector<16xi1>, vector<16xf32>
          %parallel_loop3A_74 = arith.index_cast %parallel_loop3A_64 : i32 to index
          %parallel_loop3A_75 = tpu.vector_load %arg9[%parallel_loop3A_74] {strides = array<i32>} : memref<16016xf32, #tpu.memory_space<vmem>>, vector<16xf32>,
          tpu.vector_store %arg9[%parallel_loop3A_74], %parallel_loop3A_73 {strides = array<i32>} : memref<16016xf32, #tpu.memory_space<vmem>>, vector<16xf32>,
          %parallel_loop3A_76 = arith.constant 0 : index
          %parallel_loop3A_77 = tpu.vector_load %arg8[%parallel_loop3A_76] {strides = array<i32>} : memref<16xf32, #tpu.memory_space<vmem>>, vector<16xf32>,
          %parallel_loop3A_78 = arith.subf %parallel_loop3A_77, %parallel_loop3A_62 : vector<16xf32>
          %parallel_loop3A_79 = arith.constant 1986 : i32
          %parallel_loop3A_80 = arith.addi %parallel_loop3A_64, %parallel_loop3A_79 : i32
          %parallel_loop3A_81 = arith.index_cast %parallel_loop3A_80 : i32 to index
          %parallel_loop3A_82 = tpu.vector_load %arg9[%parallel_loop3A_81] {strides = array<i32>} : memref<16016xf32, #tpu.memory_space<vmem>>, vector<16xf32>,
          tpu.vector_store %arg9[%parallel_loop3A_81], %parallel_loop3A_78 {strides = array<i32>} : memref<16016xf32, #tpu.memory_space<vmem>>, vector<16xf32>,
        } {sc.loop_unroll_factor = 1 : i64, sc.parallel_access}
        %mul3A_46 = arith.constant 16016 : i32
        %mul3A_47 = arith.muli %add3A_28, %mul3A_46 : i32
        %dma_start3A = tpu.memref_slice %arg5[%mul3A_47] : memref<10010000xf32, #tpu.memory_space<hbm>> -> memref<16016xf32, #tpu.memory_space<hbm>>
        %dma_start3A_48 = tpu.memref_slice %arg5[%mul3A_47] : memref<10010000xf32, #tpu.memory_space<hbm>> -> memref<16016xf32, #tpu.memory_space<hbm>>
        tpu.enqueue_dma source(%arg9 : memref<16016xf32, #tpu.memory_space<vmem>>) target(%dma_start3A_48 : memref<16016xf32, #tpu.memory_space<hbm>>) target_semaphore(%arg11 : memref<!tpu.dma_semaphore, #tpu.memory_space<semaphore_mem>>)
      } else {
      }
      %lt3A_33 = arith.constant 625 : i32
      %lt3A_34 = arith.cmpi slt, %add3A_30, %lt3A_33 : i32
      %convert_element_type3A_35 = arith.extui %lt3A_34 : i1 to i32
      %cond3A_36 = arith.constant 0 : i32
      %cond3A_37 = arith.cmpi ne, %convert_element_type3A_35, %cond3A_36 : i32
      scf.if %cond3A_37 {
        %gt3A = arith.constant 0 : i32
        %gt3A_38 = arith.cmpi sgt, %scan3A_25, %gt3A : i32
        %convert_element_type3A_39 = arith.extui %gt3A_38 : i1 to i32
        %cond3A_40 = arith.constant 0 : i32
        %cond3A_41 = arith.cmpi ne, %convert_element_type3A_39, %cond3A_40 : i32
        scf.if %cond3A_41 {
          %dma_wait3A_49 = arith.constant 0 : i32
          %dma_wait3A_50 = tpu.memref_slice %arg5[%dma_wait3A_49] : memref<10010000xf32, #tpu.memory_space<hbm>> -> memref<16016xf32, #tpu.memory_space<hbm>>
          %dma_wait3A_51 = arith.constant 0 : i32
          %dma_wait3A_52 = tpu.memref_slice %arg5[%dma_wait3A_51] : memref<10010000xf32, #tpu.memory_space<hbm>> -> memref<16016xf32, #tpu.memory_space<hbm>>
          tpu.wait_dma2 semaphore(%arg12 : memref<!tpu.dma_semaphore, #tpu.memory_space<semaphore_mem>>) src(%arg10 : memref<16016xf32, #tpu.memory_space<vmem>>) dst(%dma_wait3A_52 : memref<16016xf32, #tpu.memory_space<hbm>>)
        } else {
        }
        %sub3A = arith.subi %add3A_30, %mul3A_2 : i32
        %mul3A_42 = arith.constant 8 : i32
        %mul3A_43 = arith.muli %sub3A, %mul3A_42 : i32
        %parallel_loop3A = arith.constant 0 : i32
        %parallel_loop3A_44 = arith.constant 8 : i32
        %parallel_loop3A_45 = arith.constant 1 : i32
        scf.for %parallel_loop3A_49 = %parallel_loop3A to %parallel_loop3A_44 step %parallel_loop3A_45  : i32 {
          %parallel_loop3A_50 = arith.addi %mul3A_43, %parallel_loop3A_49 : i32
          %parallel_loop3A_51 = arith.constant 32 : i32
          %parallel_loop3A_52 = arith.muli %parallel_loop3A_50, %parallel_loop3A_51 : i32
          %parallel_loop3A_53 = arith.index_cast %parallel_loop3A_52 : i32 to index
          %parallel_loop3A_54 = tpu.vector_load %arg6[%parallel_loop3A_53] {strides = array<i32>} : memref<5120xf32, #tpu.memory_space<vmem>>, vector<16xf32>,
          %parallel_loop3A_55 = arith.addi %mul3A_43, %parallel_loop3A_49 : i32
          %parallel_loop3A_56 = arith.constant 32 : i32
          %parallel_loop3A_57 = arith.muli %parallel_loop3A_55, %parallel_loop3A_56 : i32
          %parallel_loop3A_58 = arith.constant 16 : i32
          %parallel_loop3A_59 = arith.addi %parallel_loop3A_57, %parallel_loop3A_58 : i32
          %parallel_loop3A_60 = arith.index_cast %parallel_loop3A_59 : i32 to index
          %parallel_loop3A_61 = tpu.vector_load %arg6[%parallel_loop3A_60] {strides = array<i32>} : memref<5120xf32, #tpu.memory_space<vmem>>, vector<16xf32>,
          %parallel_loop3A_62 = arith.select %eq3A_10, %parallel_loop3A_54, %parallel_loop3A_61 : vector<16xi1>, vector<16xf32>
          %parallel_loop3A_63 = arith.constant 2002 : i32
          %parallel_loop3A_64 = arith.muli %parallel_loop3A_49, %parallel_loop3A_63 : i32
          %parallel_loop3A_65 = arith.constant 1 : i32
          %parallel_loop3A_66 = arith.constant 125 : i32
          %parallel_loop3A_67 = arith.constant 1 : i32
          scf.for %parallel_loop3A_83 = %parallel_loop3A_65 to %parallel_loop3A_66 step %parallel_loop3A_67  : i32 {
            %parallel_loop3A_84 = arith.constant 16 : i32
            %parallel_loop3A_85 = arith.muli %parallel_loop3A_83, %parallel_loop3A_84 : i32
            %parallel_loop3A_86 = arith.index_cast %parallel_loop3A_85 : i32 to index
            %parallel_loop3A_87 = tpu.vector_load %arg7[%parallel_loop3A_86] {strides = array<i32>} : memref<2016xf32, #tpu.memory_space<vmem>>, vector<16xf32>,
            %parallel_loop3A_88 = arith.subf %parallel_loop3A_87, %parallel_loop3A_62 : vector<16xf32>
            %parallel_loop3A_89 = arith.constant 16 : i32
            %parallel_loop3A_90 = arith.muli %parallel_loop3A_83, %parallel_loop3A_89 : i32
            %parallel_loop3A_91 = arith.addi %parallel_loop3A_64, %parallel_loop3A_90 : i32
            %parallel_loop3A_92 = arith.index_cast %parallel_loop3A_91 : i32 to index
            %parallel_loop3A_93 = tpu.vector_load %arg10[%parallel_loop3A_92] {strides = array<i32>} : memref<16016xf32, #tpu.memory_space<vmem>>, vector<16xf32>,
            tpu.vector_store %arg10[%parallel_loop3A_92], %parallel_loop3A_88 {strides = array<i32>} : memref<16016xf32, #tpu.memory_space<vmem>>, vector<16xf32>,
          } {sc.loop_unroll_factor = 8 : i64, sc.parallel_access}
          %parallel_loop3A_68 = arith.constant 0 : index
          %parallel_loop3A_69 = tpu.vector_load %arg7[%parallel_loop3A_68] {strides = array<i32>} : memref<2016xf32, #tpu.memory_space<vmem>>, vector<16xf32>,
          %parallel_loop3A_70 = arith.subf %parallel_loop3A_69, %parallel_loop3A_62 : vector<16xf32>
          %parallel_loop3A_71 = arith.constant 0.000000e+00 : f32
          %parallel_loop3A_72 = vector.broadcast %parallel_loop3A_71 : f32 to vector<16xf32>
          %parallel_loop3A_73 = arith.select %ge3A_12, %parallel_loop3A_70, %parallel_loop3A_72 : vector<16xi1>, vector<16xf32>
          %parallel_loop3A_74 = arith.index_cast %parallel_loop3A_64 : i32 to index
          %parallel_loop3A_75 = tpu.vector_load %arg10[%parallel_loop3A_74] {strides = array<i32>} : memref<16016xf32, #tpu.memory_space<vmem>>, vector<16xf32>,
          tpu.vector_store %arg10[%parallel_loop3A_74], %parallel_loop3A_73 {strides = array<i32>} : memref<16016xf32, #tpu.memory_space<vmem>>, vector<16xf32>,
          %parallel_loop3A_76 = arith.constant 0 : index
          %parallel_loop3A_77 = tpu.vector_load %arg8[%parallel_loop3A_76] {strides = array<i32>} : memref<16xf32, #tpu.memory_space<vmem>>, vector<16xf32>,
          %parallel_loop3A_78 = arith.subf %parallel_loop3A_77, %parallel_loop3A_62 : vector<16xf32>
          %parallel_loop3A_79 = arith.constant 1986 : i32
          %parallel_loop3A_80 = arith.addi %parallel_loop3A_64, %parallel_loop3A_79 : i32
          %parallel_loop3A_81 = arith.index_cast %parallel_loop3A_80 : i32 to index
          %parallel_loop3A_82 = tpu.vector_load %arg10[%parallel_loop3A_81] {strides = array<i32>} : memref<16016xf32, #tpu.memory_space<vmem>>, vector<16xf32>,
          tpu.vector_store %arg10[%parallel_loop3A_81], %parallel_loop3A_78 {strides = array<i32>} : memref<16016xf32, #tpu.memory_space<vmem>>, vector<16xf32>,
        } {sc.loop_unroll_factor = 1 : i64, sc.parallel_access}
        %mul3A_46 = arith.constant 16016 : i32
        %mul3A_47 = arith.muli %add3A_30, %mul3A_46 : i32
        %dma_start3A = tpu.memref_slice %arg5[%mul3A_47] : memref<10010000xf32, #tpu.memory_space<hbm>> -> memref<16016xf32, #tpu.memory_space<hbm>>
        %dma_start3A_48 = tpu.memref_slice %arg5[%mul3A_47] : memref<10010000xf32, #tpu.memory_space<hbm>> -> memref<16016xf32, #tpu.memory_space<hbm>>
        tpu.enqueue_dma source(%arg10 : memref<16016xf32, #tpu.memory_space<vmem>>) target(%dma_start3A_48 : memref<16016xf32, #tpu.memory_space<hbm>>) target_semaphore(%arg12 : memref<!tpu.dma_semaphore, #tpu.memory_space<semaphore_mem>>)
      } else {
      }
    }
    %scan3A_17 = arith.constant 10 : i32
    %dma_wait3A = arith.constant 0 : i32
    %dma_wait3A_18 = tpu.memref_slice %arg5[%dma_wait3A] : memref<10010000xf32, #tpu.memory_space<hbm>> -> memref<16016xf32, #tpu.memory_space<hbm>>
    %dma_wait3A_19 = arith.constant 0 : i32
    %dma_wait3A_20 = tpu.memref_slice %arg5[%dma_wait3A_19] : memref<10010000xf32, #tpu.memory_space<hbm>> -> memref<16016xf32, #tpu.memory_space<hbm>>
    tpu.wait_dma2 semaphore(%arg11 : memref<!tpu.dma_semaphore, #tpu.memory_space<semaphore_mem>>) src(%arg9 : memref<16016xf32, #tpu.memory_space<vmem>>) dst(%dma_wait3A_20 : memref<16016xf32, #tpu.memory_space<hbm>>)
    %dma_wait3A_21 = arith.constant 0 : i32
    %dma_wait3A_22 = tpu.memref_slice %arg5[%dma_wait3A_21] : memref<10010000xf32, #tpu.memory_space<hbm>> -> memref<16016xf32, #tpu.memory_space<hbm>>
    %dma_wait3A_23 = arith.constant 0 : i32
    %dma_wait3A_24 = tpu.memref_slice %arg5[%dma_wait3A_23] : memref<10010000xf32, #tpu.memory_space<hbm>> -> memref<16016xf32, #tpu.memory_space<hbm>>
    tpu.wait_dma2 semaphore(%arg12 : memref<!tpu.dma_semaphore, #tpu.memory_space<semaphore_mem>>) src(%arg10 : memref<16016xf32, #tpu.memory_space<vmem>>) dst(%dma_wait3A_24 : memref<16016xf32, #tpu.memory_space<hbm>>)
    return
  }
}

module attributes {stable_mosaic.version = 14 : i64} {
  func.func @_ref_kernel(%arg0: i32, %arg1: memref<49x200x256xf32, #tpu.memory_space<vmem>>, %arg2: memref<256x1024xf32, #tpu.memory_space<vmem>>, %arg3: memref<1x1024xf32, #tpu.memory_space<vmem>>, %arg4: memref<1024x1024xf32, #tpu.memory_space<vmem>>, %arg5: memref<1x1024xf32, #tpu.memory_space<vmem>>, %arg6: memref<200x1024xf32, #tpu.memory_space<vmem>>) attributes {dimension_semantics = [#tpu.dimension_semantics<arbitrary>], iteration_bounds = array<i64: 5>, scalar_prefetch = 0 : i64, scratch_operands = 0 : i64, tpu.core_type = #tpu.core_type<tc>, window_params = [{transform_indices = @transform_0, window_bounds = array<i64: 49, 200, 256>}, {pipeline_mode = #tpu.pipeline_mode<synchronous>, transform_indices = @transform_1, window_bounds = array<i64: 256, 1024>}, {pipeline_mode = #tpu.pipeline_mode<synchronous>, transform_indices = @transform_2, window_bounds = array<i64: 1, 1024>}, {pipeline_mode = #tpu.pipeline_mode<synchronous>, transform_indices = @transform_3, window_bounds = array<i64: 1024, 1024>}, {pipeline_mode = #tpu.pipeline_mode<synchronous>, transform_indices = @transform_4, window_bounds = array<i64: 1, 1024>}, {transform_indices = @transform_5, window_bounds = array<i64: 200, 1024>}]} {
    %get3A = arith.constant 0 : index
    %get3A_0 = arith.constant 0 : index
    %get3A_1 = arith.constant 0 : index
    %get3A_2 = vector.load %arg1[%get3A, %get3A_0, %get3A_1] : memref<49x200x256xf32, #tpu.memory_space<vmem>>, vector<49x200x256xf32>
    %get3A_3 = arith.constant 0 : index
    %get3A_4 = arith.constant 0 : index
    %get3A_5 = vector.load %arg2[%get3A_3, %get3A_4] : memref<256x1024xf32, #tpu.memory_space<vmem>>, vector<256x1024xf32>
    %get3A_6 = arith.constant 0 : index
    %get3A_7 = arith.constant 0 : index
    %get3A_8 = vector.load %arg3[%get3A_6, %get3A_7] : memref<1x1024xf32, #tpu.memory_space<vmem>>, vector<1x1024xf32>
    %get3A_9 = arith.constant 0 : index
    %get3A_10 = arith.constant 0 : index
    %get3A_11 = vector.load %arg4[%get3A_9, %get3A_10] : memref<1024x1024xf32, #tpu.memory_space<vmem>>, vector<1024x1024xf32>
    %get3A_12 = arith.constant 0 : index
    %get3A_13 = arith.constant 0 : index
    %get3A_14 = vector.load %arg5[%get3A_12, %get3A_13] : memref<1x1024xf32, #tpu.memory_space<vmem>>, vector<1x1024xf32>
    %reduce_sum3A = arith.constant dense<0.000000e+00> : vector<200x256xf32>
    %reduce_sum3A_15 = vector.multi_reduction <add>, %get3A_2, %reduce_sum3A [0] : vector<49x200x256xf32> to vector<200x256xf32>
    %div3A = arith.constant 4.900000e+01 : f32
    %div3A_16 = vector.broadcast %div3A : f32 to vector<200x256xf32>
    %div3A_17 = arith.divf %reduce_sum3A_15, %div3A_16 : vector<200x256xf32>
    %dot_general3A = arith.constant dense<0.000000e+00> : vector<200x1024xf32>
    %dot_general3A_18 = tpu.matmul %div3A_17, %get3A_5, %dot_general3A {dimension_numbers = #tpu.dot_dimension_numbers<[1], [0], [0], [1], [0, 0, 1, 1], [], []>, transpose_lhs_hint = false} : vector<200x256xf32>, vector<256x1024xf32>, vector<200x1024xf32> -> vector<200x1024xf32>
    %add3A = vector.broadcast %get3A_8 : vector<1x1024xf32> to vector<200x1024xf32>
    %add3A_19 = arith.addf %dot_general3A_18, %add3A : vector<200x1024xf32>
    %max3A = arith.constant 0.000000e+00 : f32
    %max3A_20 = vector.broadcast %max3A : f32 to vector<200x1024xf32>
    %max3A_21 = arith.maximumf %add3A_19, %max3A_20 : vector<200x1024xf32>
    %dot_general3A_22 = arith.constant dense<0.000000e+00> : vector<200x1024xf32>
    %dot_general3A_23 = tpu.matmul %max3A_21, %get3A_11, %dot_general3A_22 {dimension_numbers = #tpu.dot_dimension_numbers<[1], [0], [0], [1], [0, 0, 1, 1], [], []>, transpose_lhs_hint = false} : vector<200x1024xf32>, vector<1024x1024xf32>, vector<200x1024xf32> -> vector<200x1024xf32>
    %add3A_24 = vector.broadcast %get3A_14 : vector<1x1024xf32> to vector<200x1024xf32>
    %add3A_25 = arith.addf %dot_general3A_23, %add3A_24 : vector<200x1024xf32>
    %swap3A = arith.constant 0 : index
    %swap3A_26 = arith.constant 0 : index
    %swap3A_27 = vector.load %arg6[%swap3A, %swap3A_26] : memref<200x1024xf32, #tpu.memory_space<vmem>>, vector<200x1024xf32>
    tpu.vector_store %arg6[%swap3A, %swap3A_26], %add3A_25 {strides = array<i32>} : memref<200x1024xf32, #tpu.memory_space<vmem>>, vector<200x1024xf32>,
    return
  }
  func.func @transform_0(%arg0: i32) -> (i32, i32, i32) {
    %c0_i32 = arith.constant 0 : i32
    %c0_i32_0 = arith.constant 0 : i32
    %c0_i32_1 = arith.constant 0 : i32
    return %c0_i32, %arg0, %c0_i32_0 : i32, i32, i32
  }
  func.func @transform_1(%arg0: i32) -> (i32, i32) {
    %c0_i32 = arith.constant 0 : i32
    %c0_i32_0 = arith.constant 0 : i32
    %c0_i32_1 = arith.constant 0 : i32
    return %c0_i32, %c0_i32_0 : i32, i32
  }
  func.func @transform_2(%arg0: i32) -> (i32, i32) {
    %c0_i32 = arith.constant 0 : i32
    %c0_i32_0 = arith.constant 0 : i32
    %c0_i32_1 = arith.constant 0 : i32
    return %c0_i32, %c0_i32_0 : i32, i32
  }
  func.func @transform_3(%arg0: i32) -> (i32, i32) {
    %c0_i32 = arith.constant 0 : i32
    %c0_i32_0 = arith.constant 0 : i32
    %c0_i32_1 = arith.constant 0 : i32
    return %c0_i32, %c0_i32_0 : i32, i32
  }
  func.func @transform_4(%arg0: i32) -> (i32, i32) {
    %c0_i32 = arith.constant 0 : i32
    %c0_i32_0 = arith.constant 0 : i32
    %c0_i32_1 = arith.constant 0 : i32
    return %c0_i32, %c0_i32_0 : i32, i32
  }
  func.func @transform_5(%arg0: i32) -> (i32, i32) {
    %c0_i32 = arith.constant 0 : i32
    %c0_i32_0 = arith.constant 0 : i32
    return %arg0, %c0_i32 : i32, i32
  }
}

module attributes {stable_mosaic.version = 14 : i64} {
  func.func @_main_kernel(%arg0: i32, %arg1: memref<49x200x256xf32, #tpu.memory_space<vmem>>, %arg2: memref<200x4xf32, #tpu.memory_space<vmem>>, %arg3: memref<256x1024xf32, #tpu.memory_space<vmem>>, %arg4: memref<1x1024xf32, #tpu.memory_space<vmem>>, %arg5: memref<1024x1024xf32, #tpu.memory_space<vmem>>, %arg6: memref<1x1024xf32, #tpu.memory_space<vmem>>, %arg7: memref<1000x1024xf32, #tpu.memory_space<vmem>>, %arg8: memref<8x1001xf32, #tpu.memory_space<vmem>>, %arg9: memref<200x1000xf32, #tpu.memory_space<vmem>>, %arg10: memref<200x1001xf32, #tpu.memory_space<vmem>>, %arg11: memref<2x200x1001xf32, #tpu.memory_space<vmem>>) attributes {dimension_semantics = [#tpu.dimension_semantics<arbitrary>], iteration_bounds = array<i64: 25>, scalar_prefetch = 0 : i64, scratch_operands = 0 : i64, tpu.core_type = #tpu.core_type<tc>, window_params = [{transform_indices = @transform_0, window_bounds = array<i64: 49, 200, 256>}, {transform_indices = @transform_1, window_bounds = array<i64: 200, 4>}, {pipeline_mode = #tpu.pipeline_mode<synchronous>, transform_indices = @transform_2, window_bounds = array<i64: 256, 1024>}, {pipeline_mode = #tpu.pipeline_mode<synchronous>, transform_indices = @transform_3, window_bounds = array<i64: 1, 1024>}, {pipeline_mode = #tpu.pipeline_mode<synchronous>, transform_indices = @transform_4, window_bounds = array<i64: 1024, 1024>}, {pipeline_mode = #tpu.pipeline_mode<synchronous>, transform_indices = @transform_5, window_bounds = array<i64: 1, 1024>}, {pipeline_mode = #tpu.pipeline_mode<synchronous>, transform_indices = @transform_6, window_bounds = array<i64: 1000, 1024>}, {pipeline_mode = #tpu.pipeline_mode<synchronous>, transform_indices = @transform_7, window_bounds = array<i64: 8, 1001>}, {transform_indices = @transform_8, window_bounds = array<i64: 200, 1000>}, {transform_indices = @transform_9, window_bounds = array<i64: 200, 1001>}, {transform_indices = @transform_10, window_bounds = array<i64: 2, 200, 1001>}]} {
    %get3A = arith.constant 0 : index
    %get3A_0 = arith.constant 0 : index
    %get3A_1 = arith.constant 0 : index
    %get3A_2 = vector.load %arg1[%get3A, %get3A_0, %get3A_1] : memref<49x200x256xf32, #tpu.memory_space<vmem>>, vector<49x200x256xf32>
    %get3A_3 = arith.constant 0 : index
    %get3A_4 = arith.constant 0 : index
    %get3A_5 = vector.load %arg3[%get3A_3, %get3A_4] : memref<256x1024xf32, #tpu.memory_space<vmem>>, vector<256x1024xf32>
    %get3A_6 = arith.constant 0 : index
    %get3A_7 = arith.constant 0 : index
    %get3A_8 = vector.load %arg4[%get3A_6, %get3A_7] : memref<1x1024xf32, #tpu.memory_space<vmem>>, vector<1x1024xf32>
    %get3A_9 = arith.constant 0 : index
    %get3A_10 = arith.constant 0 : index
    %get3A_11 = vector.load %arg5[%get3A_9, %get3A_10] : memref<1024x1024xf32, #tpu.memory_space<vmem>>, vector<1024x1024xf32>
    %get3A_12 = arith.constant 0 : index
    %get3A_13 = arith.constant 0 : index
    %get3A_14 = vector.load %arg6[%get3A_12, %get3A_13] : memref<1x1024xf32, #tpu.memory_space<vmem>>, vector<1x1024xf32>
    %reduce_sum3A = arith.constant dense<0.000000e+00> : vector<200x256xf32>
    %reduce_sum3A_15 = vector.multi_reduction <add>, %get3A_2, %reduce_sum3A [0] : vector<49x200x256xf32> to vector<200x256xf32>
    %div3A = arith.constant 4.900000e+01 : f32
    %div3A_16 = vector.broadcast %div3A : f32 to vector<200x256xf32>
    %div3A_17 = arith.divf %reduce_sum3A_15, %div3A_16 : vector<200x256xf32>
    %dot_general3A = arith.constant dense<0.000000e+00> : vector<200x1024xf32>
    %dot_general3A_18 = tpu.matmul %div3A_17, %get3A_5, %dot_general3A {dimension_numbers = #tpu.dot_dimension_numbers<[1], [0], [0], [1], [0, 0, 1, 1], [], []>, transpose_lhs_hint = false} : vector<200x256xf32>, vector<256x1024xf32>, vector<200x1024xf32> -> vector<200x1024xf32>
    %add3A = vector.broadcast %get3A_8 : vector<1x1024xf32> to vector<200x1024xf32>
    %add3A_19 = arith.addf %dot_general3A_18, %add3A : vector<200x1024xf32>
    %max3A = arith.constant 0.000000e+00 : f32
    %max3A_20 = vector.broadcast %max3A : f32 to vector<200x1024xf32>
    %max3A_21 = arith.maximumf %add3A_19, %max3A_20 : vector<200x1024xf32>
    %dot_general3A_22 = arith.constant dense<0.000000e+00> : vector<200x1024xf32>
    %dot_general3A_23 = tpu.matmul %max3A_21, %get3A_11, %dot_general3A_22 {dimension_numbers = #tpu.dot_dimension_numbers<[1], [0], [0], [1], [0, 0, 1, 1], [], []>, transpose_lhs_hint = false} : vector<200x1024xf32>, vector<1024x1024xf32>, vector<200x1024xf32> -> vector<200x1024xf32>
    %add3A_24 = vector.broadcast %get3A_14 : vector<1x1024xf32> to vector<200x1024xf32>
    %add3A_25 = arith.addf %dot_general3A_23, %add3A_24 : vector<200x1024xf32>
    %get3A_26 = arith.constant 0 : index
    %get3A_27 = arith.constant 0 : index
    %get3A_28 = vector.load %arg7[%get3A_26, %get3A_27] : memref<1000x1024xf32, #tpu.memory_space<vmem>>, vector<1000x1024xf32>
    %dot_general3A_29 = arith.constant dense<0.000000e+00> : vector<200x1000xf32>
    %dot_general3A_30 = tpu.matmul %add3A_25, %get3A_28, %dot_general3A_29 {dimension_numbers = #tpu.dot_dimension_numbers<[1], [1], [0], [0], [0, 0, 1, 0], [], []>, transpose_lhs_hint = false} : vector<200x1024xf32>, vector<1000x1024xf32>, vector<200x1000xf32> -> vector<200x1000xf32>
    %swap3A = arith.constant 0 : index
    %swap3A_31 = arith.constant 0 : index
    %swap3A_32 = vector.load %arg9[%swap3A, %swap3A_31] : memref<200x1000xf32, #tpu.memory_space<vmem>>, vector<200x1000xf32>
    tpu.vector_store %arg9[%swap3A, %swap3A_31], %dot_general3A_30 {strides = array<i32>} : memref<200x1000xf32, #tpu.memory_space<vmem>>, vector<200x1000xf32>,
    %get3A_33 = arith.constant 0 : index
    %get3A_34 = arith.constant 0 : index
    %get3A_35 = vector.load %arg2[%get3A_33, %get3A_34] : memref<200x4xf32, #tpu.memory_space<vmem>>, vector<200x4xf32>
    %slice3A = vector.extract_strided_slice %get3A_35 {offsets = [0, 0], sizes = [200, 1], strides = [1, 1]} : vector<200x4xf32> to vector<200x1xf32>
    %slice3A_36 = vector.extract_strided_slice %get3A_35 {offsets = [0, 1], sizes = [200, 1], strides = [1, 1]} : vector<200x4xf32> to vector<200x1xf32>
    %slice3A_37 = vector.extract_strided_slice %get3A_35 {offsets = [0, 2], sizes = [200, 1], strides = [1, 1]} : vector<200x4xf32> to vector<200x1xf32>
    %slice3A_38 = vector.extract_strided_slice %get3A_35 {offsets = [0, 3], sizes = [200, 1], strides = [1, 1]} : vector<200x4xf32> to vector<200x1xf32>
    %add3A_39 = arith.addf %slice3A, %slice3A_37 : vector<200x1xf32>
    %div3A_40 = arith.constant 2.000000e+00 : f32
    %div3A_41 = vector.broadcast %div3A_40 : f32 to vector<200x1xf32>
    %div3A_42 = arith.divf %add3A_39, %div3A_41 : vector<200x1xf32>
    %add3A_43 = arith.addf %slice3A_36, %slice3A_38 : vector<200x1xf32>
    %div3A_44 = arith.constant 2.000000e+00 : f32
    %div3A_45 = vector.broadcast %div3A_44 : f32 to vector<200x1xf32>
    %div3A_46 = arith.divf %add3A_43, %div3A_45 : vector<200x1xf32>
    %get3A_47 = arith.constant 0 : index
    %get3A_48 = arith.constant 0 : index
    %get3A_49 = vector.load %arg8[%get3A_47, %get3A_48] : memref<8x1001xf32, #tpu.memory_space<vmem>>, vector<8x1001xf32>
    %slice3A_50 = vector.extract_strided_slice %get3A_49 {offsets = [0, 0], sizes = [1, 1001], strides = [1, 1]} : vector<8x1001xf32> to vector<1x1001xf32>
    %slice3A_51 = vector.extract_strided_slice %get3A_49 {offsets = [1, 0], sizes = [1, 1001], strides = [1, 1]} : vector<8x1001xf32> to vector<1x1001xf32>
    %slice3A_52 = vector.extract_strided_slice %get3A_49 {offsets = [2, 0], sizes = [1, 1001], strides = [1, 1]} : vector<8x1001xf32> to vector<1x1001xf32>
    %slice3A_53 = vector.extract_strided_slice %get3A_49 {offsets = [3, 0], sizes = [1, 1001], strides = [1, 1]} : vector<8x1001xf32> to vector<1x1001xf32>
    %slice3A_54 = vector.extract_strided_slice %get3A_49 {offsets = [4, 0], sizes = [1, 1001], strides = [1, 1]} : vector<8x1001xf32> to vector<1x1001xf32>
    %slice3A_55 = vector.extract_strided_slice %get3A_49 {offsets = [5, 0], sizes = [1, 1001], strides = [1, 1]} : vector<8x1001xf32> to vector<1x1001xf32>
    %slice3A_56 = vector.extract_strided_slice %get3A_49 {offsets = [6, 0], sizes = [1, 1001], strides = [1, 1]} : vector<8x1001xf32> to vector<1x1001xf32>
    %sub3A = vector.broadcast %slice3A_54 : vector<1x1001xf32> to vector<200x1001xf32>
    %sub3A_57 = vector.broadcast %div3A_42 : vector<200x1xf32> to vector<200x1001xf32>
    %sub3A_58 = arith.subf %sub3A, %sub3A_57 : vector<200x1001xf32>
    %sub3A_59 = vector.broadcast %slice3A_55 : vector<1x1001xf32> to vector<200x1001xf32>
    %sub3A_60 = vector.broadcast %div3A_46 : vector<200x1xf32> to vector<200x1001xf32>
    %sub3A_61 = arith.subf %sub3A_59, %sub3A_60 : vector<200x1001xf32>
    %add3A_62 = vector.broadcast %slice3A : vector<200x1xf32> to vector<200x1001xf32>
    %add3A_63 = arith.addf %add3A_62, %sub3A_58 : vector<200x1001xf32>
    %add3A_64 = vector.broadcast %slice3A_36 : vector<200x1xf32> to vector<200x1001xf32>
    %add3A_65 = arith.addf %add3A_64, %sub3A_61 : vector<200x1001xf32>
    %add3A_66 = vector.broadcast %slice3A_37 : vector<200x1xf32> to vector<200x1001xf32>
    %add3A_67 = arith.addf %add3A_66, %sub3A_58 : vector<200x1001xf32>
    %add3A_68 = vector.broadcast %slice3A_38 : vector<200x1xf32> to vector<200x1001xf32>
    %add3A_69 = arith.addf %add3A_68, %sub3A_61 : vector<200x1001xf32>
    %min3A = vector.broadcast %slice3A_52 : vector<1x1001xf32> to vector<200x1001xf32>
    %min3A_70 = arith.minimumf %add3A_67, %min3A : vector<200x1001xf32>
    %max3A_71 = vector.broadcast %slice3A_50 : vector<1x1001xf32> to vector<200x1001xf32>
    %max3A_72 = arith.maximumf %add3A_63, %max3A_71 : vector<200x1001xf32>
    %sub3A_73 = arith.subf %min3A_70, %max3A_72 : vector<200x1001xf32>
    %max3A_74 = arith.constant 0.000000e+00 : f32
    %max3A_75 = vector.broadcast %max3A_74 : f32 to vector<200x1001xf32>
    %max3A_76 = arith.maximumf %sub3A_73, %max3A_75 : vector<200x1001xf32>
    %min3A_77 = vector.broadcast %slice3A_53 : vector<1x1001xf32> to vector<200x1001xf32>
    %min3A_78 = arith.minimumf %add3A_69, %min3A_77 : vector<200x1001xf32>
    %max3A_79 = vector.broadcast %slice3A_51 : vector<1x1001xf32> to vector<200x1001xf32>
    %max3A_80 = arith.maximumf %add3A_65, %max3A_79 : vector<200x1001xf32>
    %sub3A_81 = arith.subf %min3A_78, %max3A_80 : vector<200x1001xf32>
    %max3A_82 = arith.constant 0.000000e+00 : f32
    %max3A_83 = vector.broadcast %max3A_82 : f32 to vector<200x1001xf32>
    %max3A_84 = arith.maximumf %sub3A_81, %max3A_83 : vector<200x1001xf32>
    %mul3A = arith.mulf %max3A_76, %max3A_84 : vector<200x1001xf32>
    %sub3A_85 = arith.subf %add3A_67, %add3A_63 : vector<200x1001xf32>
    %sub3A_86 = arith.subf %add3A_69, %add3A_65 : vector<200x1001xf32>
    %mul3A_87 = arith.mulf %sub3A_85, %sub3A_86 : vector<200x1001xf32>
    %add3A_88 = vector.broadcast %slice3A_56 : vector<1x1001xf32> to vector<200x1001xf32>
    %add3A_89 = arith.addf %mul3A_87, %add3A_88 : vector<200x1001xf32>
    %sub3A_90 = arith.subf %add3A_89, %mul3A : vector<200x1001xf32>
    %max3A_91 = arith.constant 9.99999997E-7 : f32
    %max3A_92 = vector.broadcast %max3A_91 : f32 to vector<200x1001xf32>
    %max3A_93 = arith.maximumf %sub3A_90, %max3A_92 : vector<200x1001xf32>
    %div3A_94 = arith.divf %mul3A, %max3A_93 : vector<200x1001xf32>
    %swap3A_95 = arith.constant 0 : index
    %swap3A_96 = arith.constant 0 : index
    %swap3A_97 = vector.load %arg10[%swap3A_95, %swap3A_96] : memref<200x1001xf32, #tpu.memory_space<vmem>>, vector<200x1001xf32>
    tpu.vector_store %arg10[%swap3A_95, %swap3A_96], %div3A_94 {strides = array<i32>} : memref<200x1001xf32, #tpu.memory_space<vmem>>, vector<200x1001xf32>,
    %iota3A = tpu.iota {dimensions = array<i32: 1>} : vector<200x1001xi32>
    %ge3A = arith.constant 1 : i32
    %ge3A_98 = vector.broadcast %ge3A : i32 to vector<200x1001xi32>
    %ge3A_99 = arith.cmpi sge, %iota3A, %ge3A_98 : vector<200x1001xi32>
    %jit3A = arith.constant 0.000000e+00 : f32
    %broadcast_in_dim3A = vector.broadcast %jit3A : f32 to vector<200x1001xf32>
    %select_n3A = arith.select %ge3A_99, %sub3A_58, %broadcast_in_dim3A : vector<200x1001xi1>, vector<200x1001xf32>
    %swap3A_100 = arith.constant 0 : index
    %swap3A_101 = arith.constant 0 : index
    %swap3A_102 = arith.constant 0 : index
    %swap3A_103 = vector.load %arg11[%swap3A_100, %swap3A_101, %swap3A_102] : memref<2x200x1001xf32, #tpu.memory_space<vmem>>, vector<1x200x1001xf32>
    %swap3A_104 = vector.shape_cast %swap3A_103 : vector<1x200x1001xf32> to vector<200x1001xf32>
    %swap3A_105 = vector.shape_cast %select_n3A : vector<200x1001xf32> to vector<1x200x1001xf32>
    tpu.vector_store %arg11[%swap3A_100, %swap3A_101, %swap3A_102], %swap3A_105 {strides = array<i32>} : memref<2x200x1001xf32, #tpu.memory_space<vmem>>, vector<1x200x1001xf32>,
    %jit3A_106 = arith.constant 0.000000e+00 : f32
    %broadcast_in_dim3A_107 = vector.broadcast %jit3A_106 : f32 to vector<200x1001xf32>
    %select_n3A_108 = arith.select %ge3A_99, %sub3A_61, %broadcast_in_dim3A_107 : vector<200x1001xi1>, vector<200x1001xf32>
    %swap3A_109 = arith.constant 1 : index
    %swap3A_110 = arith.constant 0 : index
    %swap3A_111 = arith.constant 0 : index
    %swap3A_112 = vector.load %arg11[%swap3A_109, %swap3A_110, %swap3A_111] : memref<2x200x1001xf32, #tpu.memory_space<vmem>>, vector<1x200x1001xf32>
    %swap3A_113 = vector.shape_cast %swap3A_112 : vector<1x200x1001xf32> to vector<200x1001xf32>
    %swap3A_114 = vector.shape_cast %select_n3A_108 : vector<200x1001xf32> to vector<1x200x1001xf32>
    tpu.vector_store %arg11[%swap3A_109, %swap3A_110, %swap3A_111], %swap3A_114 {strides = array<i32>} : memref<2x200x1001xf32, #tpu.memory_space<vmem>>, vector<1x200x1001xf32>,
    return
  }
  func.func @transform_0(%arg0: i32) -> (i32, i32, i32) {
    %c0_i32 = arith.constant 0 : i32
    %c0_i32_0 = arith.constant 0 : i32
    %c0_i32_1 = arith.constant 0 : i32
    return %c0_i32, %arg0, %c0_i32_0 : i32, i32, i32
  }
  func.func @transform_1(%arg0: i32) -> (i32, i32) {
    %c0_i32 = arith.constant 0 : i32
    %c0_i32_0 = arith.constant 0 : i32
    return %arg0, %c0_i32 : i32, i32
  }
  func.func @transform_2(%arg0: i32) -> (i32, i32) {
    %c0_i32 = arith.constant 0 : i32
    %c0_i32_0 = arith.constant 0 : i32
    %c0_i32_1 = arith.constant 0 : i32
    return %c0_i32, %c0_i32_0 : i32, i32
  }
  func.func @transform_3(%arg0: i32) -> (i32, i32) {
    %c0_i32 = arith.constant 0 : i32
    %c0_i32_0 = arith.constant 0 : i32
    %c0_i32_1 = arith.constant 0 : i32
    return %c0_i32, %c0_i32_0 : i32, i32
  }
  func.func @transform_4(%arg0: i32) -> (i32, i32) {
    %c0_i32 = arith.constant 0 : i32
    %c0_i32_0 = arith.constant 0 : i32
    %c0_i32_1 = arith.constant 0 : i32
    return %c0_i32, %c0_i32_0 : i32, i32
  }
  func.func @transform_5(%arg0: i32) -> (i32, i32) {
    %c0_i32 = arith.constant 0 : i32
    %c0_i32_0 = arith.constant 0 : i32
    %c0_i32_1 = arith.constant 0 : i32
    return %c0_i32, %c0_i32_0 : i32, i32
  }
  func.func @transform_6(%arg0: i32) -> (i32, i32) {
    %c0_i32 = arith.constant 0 : i32
    %c0_i32_0 = arith.constant 0 : i32
    %c0_i32_1 = arith.constant 0 : i32
    return %c0_i32, %c0_i32_0 : i32, i32
  }
  func.func @transform_7(%arg0: i32) -> (i32, i32) {
    %c0_i32 = arith.constant 0 : i32
    %c0_i32_0 = arith.constant 0 : i32
    %c0_i32_1 = arith.constant 0 : i32
    return %c0_i32, %c0_i32_0 : i32, i32
  }
  func.func @transform_8(%arg0: i32) -> (i32, i32) {
    %c0_i32 = arith.constant 0 : i32
    %c0_i32_0 = arith.constant 0 : i32
    return %arg0, %c0_i32 : i32, i32
  }
  func.func @transform_9(%arg0: i32) -> (i32, i32) {
    %c0_i32 = arith.constant 0 : i32
    %c0_i32_0 = arith.constant 0 : i32
    return %arg0, %c0_i32 : i32, i32
  }
  func.func @transform_10(%arg0: i32) -> (i32, i32, i32) {
    %c0_i32 = arith.constant 0 : i32
    %c0_i32_0 = arith.constant 0 : i32
    %c0_i32_1 = arith.constant 0 : i32
    return %c0_i32, %arg0, %c0_i32_0 : i32, i32, i32
  }
}

</mosaic_0001>

<sc_bundles>
// kernel: kernel.5.cloned.1.call-start
scs
__scs_entry_jumppad:
0x0: {  	(pc) =	sbr.rel $0x88, $3  }
0x1: {  	(tag) =	ssettag $0x0;
	lr =	simm.s32 $0x1  }
0x2: {  	[smem:$0x3F99] =	sst lr;
	_ =	strace $0xD0000000  }
0x3: {  	_ = 	snop  }
0x4: {  	_ = 	snop  }
0x5: {  	_ = 	snop  }
0x6: {  	_ = 	snop  }
0x7: {  	_ = 	snop  }
__scs_overlays_trampoline_lowered:
0x8: {  	[smem:$0x3FA8] =	sst s0  }
0x9: {  	[smem:$0x3FA9] =	sst s1  }
0xa: {  	[smem:$0x3FAA] =	sst s2  }
0xb: {  	[smem:$0x3FAB] =	sst s3  }
0xc: {  	[smem:$0x3FAC] =	sst s4  }
0xd: {  	[smem:$0x3FAD] =	sst s5  }
0xe: {  	[smem:$0x3FAE] =	sst s6  }
0xf: {  	[smem:$0x3FAF] =	sst s7  }
0x10: {  	[smem:$0x3FB0] =	sst s8  }
0x11: {  	[smem:$0x3FB1] =	sst s9;
	s0 =	simm.s32 @!p0 $0x0  }
0x12: {  	s1 =	sld [smem:$0x3F97];
	s0 =	simm.s32 @p0 $0x1  }
0x13: {  	[smem:$0x3FB2] =	sst s0;
	s0 =	simm.s32 @!p1 $0x0  }
0x14: {  	s2 =	sld [smem:$0x3F96];
	s0 =	simm.s32 @p1 $0x1  }
0x15: {  	[smem:$0x3FB3] =	sst s0;
	s0 =	simm.s32 @!p2 $0x0  }
0x16: {  	s3 =	sld [smem:$0x3FDB];
	s0 =	simm.s32 @p2 $0x1  }
0x17: {  	s4 =	simm.s32 $0x1BF5;
	[smem:$0x3FB5] =	sst s0  }
0x18: {  	s0 =	sld [smem:$0x3F98];
	_ =	swait.ge [sflag:s4], $0x0  }
0x19: {  	s7 =	sld [smem:$0x3F99]  }
0x1a: {  	s8 =	sadd.s32 $0xFFFFE003, lr  }
0x1b: {  	s9 =	sadd.s32 $0xFFFFFEF7, lr;
	s5 =	simm.s32 $0xFFFFFFFF;
	p2 =	slt.u32 s8, $0xFFFFF086  }
0x1c: {  	p1 =	slt.u32 s9, $0xF7A;
	s5 =	simm.s32 @!p2 $0x0  }
0x1d: {  	s5 =	simm.s32 @p1 $0x1;
	p0 =	seq.s32 s7, s2  }
0x1e: {  	s7 =	smul.u32 @!p0 $0xF7A, s2;
	p2 =	seq.s32 @!p0 s5, $0x0  }
0x1f: {  	s9 =	smul.u32 $0xF7A, s1;
	s8 =	simm.s32 @!p0 $0x1BF5;
	p2 =	por !p2, p0  }
0x20: {  	[sflag:s8] =	ssyncset.s32 @!p0 $0xFFFFF086;
	s6 =	sadd.s32 @!p0 s3, s7;
	s7 =	simm.s32 @!p0 $0x108  }
0x21: {  	s3 =	sadd.s32 s3, s9;
	s6 =	sadd.s32 @!p0 $0x88, s6;
	s7 =	simm.s32 @p2 $0x1082  }
0x22: {  	[simem:s7], [sflag:s8] =	dma.local @!p0 [hbm:s6], $0xF7A  }
0x23: {  	s9 =	sor.u32 $0xD0000000, s2;
	s6 =	simm.s32 $0x108;
	_ =	swait.ge @!p0 [sflag:s8], $0x0  }
0x24: {  	s3 =	sadd.s32 $0x88, s3;
	s6 =	simm.s32 @!p1 $0x1082;
	[sflag:s4] =	ssyncset.s32 $0xFFFFF086  }
0x25: {  	[simem:s6], [sflag:s4] =	dma.local [hbm:s3], $0xF7A  }
0x26: {  	[smem:$0x3F99] =	sst s1;
	(tag) =	ssettag s2;
	_ =	strace s9  }
0x27: {  	s1 =	sld [smem:$0x3FA9]  }
0x28: {  	s2 =	sld [smem:$0x3FAA]  }
0x29: {  	s4 =	sld [smem:$0x3FAC]  }
0x2a: {  	p0 =	seq.s32 s5, $0x0;
	s5 =	sld [smem:$0x3FAD]  }
0x2b: {  	s6 =	sld [smem:$0x3FAE]  }
0x2c: {  	s7 =	sld [smem:$0x3FAF]  }
0x2d: {  	s3 =	simm.s32 $0x108;
	s8 =	sld [smem:$0x3FB0]  }
0x2e: {  	s3 =	simm.s32 @!p0 $0x1082;
	s9 =	sld [smem:$0x3FB1]  }
0x2f: {  	lr =	sadd.s32 s0, s3;
	s0 =	sld [smem:$0x3FA8]  }
0x30: {  	s3 =	sld [smem:$0x3FAB]  }
0x31: {  	[smem:$0x3FB4] =	sst s10  }
0x32: {  	s10 =	sld [smem:$0x3FB2];
	_ =	sdelay $0x3  }
0x33: {  	p0 =	seq.s32 s10, $0x1;
	s10 =	sld [smem:$0x3FB4];
	_ =	sdelay $0x3  }
0x34: {  	[smem:$0x3FB4] =	sst s10  }
0x35: {  	s10 =	sld [smem:$0x3FB3];
	_ =	sdelay $0x3  }
0x36: {  	p1 =	seq.s32 s10, $0x1;
	s10 =	sld [smem:$0x3FB4];
	_ =	sdelay $0x3  }
0x37: {  	[smem:$0x3FB4] =	sst s10  }
0x38: {  	s10 =	sld [smem:$0x3FB5]  }
0x39: {  	_ = 	snop;
	(pc) =	sbr.ind lr, $3  }
0x3a: {  	_ = 	snop  }
0x3b: {  	_ = 	snop  }
0x3c: {  	p2 =	seq.s32 s10, $0x1;
	s10 =	sld [smem:$0x3FB4]  }
0x3d: {  	_ =	shalt  }
0x3e: {  	_ =	shalt  }
0x3f: {  	_ =	shalt  }
0x40: {  	_ =	shalt  }
0x41: {  	_ =	shalt  }
0x42: {  	_ =	shalt  }
0x43: {  	_ =	shalt  }
0x44: {  	_ =	shalt  }
0x45: {  	_ =	shalt  }
0x46: {  	_ =	shalt  }
0x47: {  	_ =	shalt  }
0x48: {  	_ =	shalt  }
0x49: {  	_ =	shalt  }
0x4a: {  	_ =	shalt  }
0x4b: {  	_ =	shalt  }
0x4c: {  	_ =	shalt  }
0x4d: {  	_ =	shalt  }
0x4e: {  	_ =	shalt  }
0x4f: {  	_ =	shalt  }
0x50: {  	_ =	shalt  }
0x51: {  	_ =	shalt  }
0x52: {  	_ =	shalt  }
0x53: {  	_ =	shalt  }
0x54: {  	_ =	shalt  }
0x55: {  	_ =	shalt  }
0x56: {  	_ =	shalt  }
0x57: {  	_ =	shalt  }
0x58: {  	_ =	shalt  }
0x59: {  	_ =	shalt  }
0x5a: {  	_ =	shalt  }
0x5b: {  	_ =	shalt  }
0x5c: {  	_ =	shalt  }
0x5d: {  	_ =	shalt  }
0x5e: {  	_ =	shalt  }
0x5f: {  	_ =	shalt  }
0x60: {  	_ =	shalt  }
0x61: {  	_ =	shalt  }
0x62: {  	_ =	shalt  }
0x63: {  	_ =	shalt  }
0x64: {  	_ =	shalt  }
0x65: {  	_ =	shalt  }
0x66: {  	_ =	shalt  }
0x67: {  	_ =	shalt  }
0x68: {  	_ =	shalt  }
0x69: {  	_ =	shalt  }
0x6a: {  	_ =	shalt  }
0x6b: {  	_ =	shalt  }
0x6c: {  	_ =	shalt  }
0x6d: {  	_ =	shalt  }
0x6e: {  	_ =	shalt  }
0x6f: {  	_ =	shalt  }
0x70: {  	_ =	shalt  }
0x71: {  	_ =	shalt  }
0x72: {  	_ =	shalt  }
0x73: {  	_ =	shalt  }
0x74: {  	_ =	shalt  }
0x75: {  	_ =	shalt  }
0x76: {  	_ =	shalt  }
0x77: {  	_ =	shalt  }
0x78: {  	_ =	shalt  }
0x79: {  	_ =	shalt  }
0x7a: {  	_ =	shalt  }
0x7b: {  	_ =	shalt  }
0x7c: {  	_ =	shalt  }
0x7d: {  	_ =	shalt  }
0x7e: {  	_ =	shalt  }
0x7f: {  	_ =	shalt  }
0x80: {  	_ =	shalt  }
0x81: {  	_ =	shalt  }
0x82: {  	_ =	shalt  }
0x83: {  	_ =	shalt  }
0x84: {  	_ =	shalt  }
0x85: {  	_ =	shalt  }
0x86: {  	_ =	shalt  }
0x87: {  	_ =	shalt  }
.Lfunc_end0:
.L_simem_size_0:
called_computation_lowered:
.L_overlay_start_0:
0x88: {  	s2 =	sld [smem:$0x3FD9]  }
0x89: {  	s3 =	sld [smem:$0x3FFE];
	_ =	sdelay $0x1  }
0x8a: {  	s1 =	srdreg.scid  }
0x8b: {  	s0 =	sand.u32 $0x1, s1  }
0x8c: {  	s14 =	sshll.u32 s0, $0xA;
	s2 =	sadd.s32 s3, s2  }
0x8d: {  	s2 =	sadd.s32 s2, s14  }
0x8e: {  	[smem:$0x3FC0] =	sst s2  }
0x8f: {  	_ = 	snop  }
0x90: {  	s2 =	sld [smem:$0x3FD0];
	_ =	sdelay $0x2  }
0x91: {  	s15 =	simm.s32 $0xA;
	s4 =	simm.s32 $0x10  }
0x92: {  	[smem:s4], [sflag:s15] =	dma.local [hbm:s2], $0x1  }
0x93: {  	_ =	swait.eq [sflag:s15], $0x1  }
0x94: {  	[sflag:s15] =	ssyncset.done $0x0  }
0x95: {  	[sflag:s15] =	ssyncadd.s32 $0xFFFFFFFF  }
0x96: {  	s16 =	sld [smem:$0x13];
	(tm) =	ssettm $0x1  }
0x97: {  	s17 =	sld [smem:$0x3FFB];
	_ =	sdelay $0x3  }
0x98: {  	_ =	strace s17  }
0x99: {  	s3 =	sld [smem:$0x3FFC];
	_ =	sdelay $0x3  }
0x9a: {  	_ =	strace s3  }
0x9b: {  	s3 =	sld [smem:$0x3FFD];
	_ =	sdelay $0x3  }
0x9c: {  	_ =	strace s3  }
0x9d: {  	_ =	strace $0x8FFFFFFF  }
0x9e: {  	s18 =	sld [smem:$0x3FDB];
	_ =	sdelay $0x1  }
0x9f: {  	s19 =	simm.s32 $_scs_section_size  }
0xa0: {  	s5 =	simm.s32 $_size__tile_overlayer_lowered;
	s6 =	simm.s32 $_tile_overlayer_lowered  }
0xa1: {  	s22 =	simm.s32 $0x1BFF;
	s21 =	sshll.u32 s6, $0x1;
	s3 =	sadd.s32 s19, s18  }
0xa2: {  	s7 =	simm.s32 $0x0;
	s20 =	sshll.u32 s5, $0x1;
	s5 =	sadd.s32 s21, s3  }
0xa3: {  	[timem:s7], [sflag:s22] =	dma.local [hbm:s5], s20  }
0xa4: {  	_ =	swait.ge [sflag:s22], s20  }
0xa5: {  	s4 =	ssub.s32 $0x0, s20;
	[sflag:s22] =	ssyncset.done $0x0  }
0xa6: {  	[sflag:s22] =	ssyncadd.s32 s4;
	_ =	sdelay $0x1  }
0xa7: {  	s23 =	simm.s32 $0x1B8B  }
0xa8: {  	_ =	swait.ge [sflag:s23], $0x1  }
0xa9: {  	[sflag:s23] =	ssyncset.done $0x0  }
0xaa: {  	s25 =	simm.s32 $0x1B8E;
	s24 =	sld [smem:$0x3FFE];
	[sflag:s23] =	ssyncadd.s32 $0xFFFFFFFF  }
0xab: {  	s26 =	simm.s32 $execute0_lowered;
	[smem:$0x3FD2] =	sst s25  }
0xac: {  	s5 =	sshll.u32 s26, $0x1;
	_ =	strace $0x80000046;
	[dreg:$0x1] =	wrdreg $0xFFFFFFFF  }
0xad: {  	s28 =	simm.s32 $_size_execute0_lowered;
	s3 =	sadd.s32 s3, s5;
	[dreg:$0x0] =	wrdreg $0x0  }
0xae: {  	s5 =	sshll.u32 s28, $0x1;
	[dreg:$0x2] =	wrdreg s3  }
0xaf: {  	[dreg:$0x3] =	wrdreg s5  }
0xb0: {  	[dreg:$0x4] =	wrdreg $0xC0  }
0xb1: {  	_ =	task [dreg:s7], $0x5FFFF  }
0xb2: {  	[dreg:$0x1] =	wrdreg $0xFFFFFFFF  }
0xb3: {  	[dreg:$0x0] =	wrdreg $0x60  }
0xb4: {  	[dreg:$0x2] =	wrdreg s16  }
0xb5: {  	[dreg:$0x3] =	wrdreg s24  }
0xb6: {  	[dreg:$0x4] =	wrdreg $0x9  }
0xb7: {  	_ =	task.clear_ibuf [dreg:s7], $0x5FFFF;
	_ =	strace $0x90000046  }
0xb8: {  	s29 =	simm.s32 $0x9;
	_ =	strace $0x80000048  }
0xb9: {  	_ =	swait.ge [sflag:s29], $0x1  }
0xba: {  	[sflag:s29] =	ssyncadd.s32 $0xFFFFFFFF  }
0xbb: {  	_ =	strace $0x90000048  }
0xbc: {  	_ =	sfence  }
0xbd: {  	s30 =	sld [smem:$0x0];
	_ =	sdelay $0x2  }
0xbe: {  	s31 =	sshll.u32 s1, $0xD;
	s1 =	sshrl.u32 s1, $0x2  }
0xbf: {  	s3 =	sand.u32 $0x4000, s31;
	s1 =	sadd.s32 s1, s30  }
0xc0: {  	s0 =	sor.u32 s3, s0;
	s1 =	sshll.u32 s1, $0x11  }
0xc1: {  	s0 =	sor.u32 s1, s0  }
0xc2: {  	s0 =	sadd.s32 $0x8F2B, s0  }
0xc3: {  	[sflag:s0] =	ssyncadd.remote.s32 $0x1  }
0xc4: {  	_ =	sfence.sel $0xFFFF  }
0xc5: {  	[dreg:$0x0] =	wrdreg $0xFFFFFFFF;
	(pc) =	sbr.abs _section_cstart, $3  }
0xc6: {  	[dreg:$0x1] =	wrdreg $0xFFFFFFFF  }
0xc7: {  	_ =	task.clear_ibuf [dreg:s7], $0x2FFFF;
	_ =	strace $0x9FFFFFFF  }
0xc8: {  	(tm) =	ssettm $0x7FFFFFFF  }
0xc9: {  	_ =	shalt  }
tec
execute0_lowered:
.L_overlay_start_1:
0x0: {  	(tag) =	ssettag $0x1  }
0x1: {  	s7 =	rddreg [dreg:$0x0]  }
0x2: {  	s5 =	rddreg [dreg:$0x1]  }
0x3: {  	s0 =	rddreg [dreg:$0x2]  }
0x4: {  	s2 =	simm.s32 $0x0;
	s3 =	srdreg.scid;
	s1 =	stileid.u32  }
0x5: {  	vm0 =	vcmask $0xB08;
	vm1 =	vcmask $0x300;
	s11 =	simm.s32 $0x1C00;
	s12 =	simm.s32 $0x1C80;
	s13 =	simm.s32 $0x5B80  }
0x6: {  	s14 =	simm.s32 $0x1;
	s15 =	simm.s32 $0x2;
	s16 =	simm.s32 $0x0;
	vm0 =	vmor vm1, vm0;
	vm1 =	vcmask $0x1310  }
0x7: {  	[smem:$0x7FF] =	sst s2;
	s4 =	sand.u32 $0x1, s3;
	s31 =	sshll.u32 s1, $0x1;
	vm0 =	vmor vm0, vm1;
	vm1 =	vcmask $0x1B18  }
.Ltmp0:
0x8: {  	s3 =	sadd.s32 $0x1A00, s5;
	_ =	strace $0x80000047;
	vm0 =	vmor vm0, vm1;
	vm1 =	vcmask $0x2320;
	(pc) =	sbr.rel .LBB2_1-.Ltmp0, $4  }
0x9: {  	s6 =	sor.u32 s4, s31;
	s8 =	ssub.s32 $0x2, s4;
	s4 =	sadd.s32 $0x1800, s5;
	vm0 =	vmor vm0, vm1;
	vm1 =	vcmask $0x2B28  }
0xa: {  	s5 =	sadd.s32 $0x1C00, s5;
	s9 =	smul.u32 $0x280, s6;
	s10 =	sshrl.u32 s8, $0x1;
	vm0 =	vmor vm0, vm1;
	vm1 =	vcmask $0x3330  }
0xb: {  	s6 =	smul.u32 $0x14, s6;
	s8 =	ssub.s32 s8, s10;
	s10 =	simm.s32 $0x3;
	vm0 =	vmor vm0, vm1;
	vm1 =	vcmask $0x3B38  }
0xc: {  	s7 =	sadd.s32 s7, s9;
	s8 =	smax.u32 s8, $0x1;
	s9 =	simm.s32 $0x1400;
	vm0 =	vmor vm0, vm1;
	vm1 =	vmmov $0x3  }
.LBB2_18:
0xd: {  	s16 =	sadd.s32 $0x1, s16  }
0xe: {  	_ =	swait.ge [sflag:s14], $0x3E90;
	p0 =	sne.s32 s16, s8  }
.Ltmp1:
0xf: {  	[sflag:s14] =	ssyncset.done $0x0;
	(pc) =	sbr.rel @!p0 .LBB2_19-.Ltmp1, $4  }
0x10: {  	[sflag:s14] =	ssyncadd.s32 $0xFFFFC170  }
0x11: {  	_ =	swait.ge [sflag:s15], $0x3E90  }
0x12: {  	[sflag:s15] =	ssyncset.done $0x0  }
0x13: {  	[sflag:s15] =	ssyncadd.s32 $0xFFFFC170  }
.LBB2_1:
0x14: {  	[tilespmem:s9], [sflag:$0x3] =	stream.linear.gather [hbm4b:s3+s2], $0x800, $0x38;
	[tilespmem:$0x9A80] =	vst v63  }
0x15: {  	_ =	swait.ge [sflag:s10], $0x800  }
0x16: {  	[sflag:s10] =	ssyncset.done $0x0  }
0x17: {  	[sflag:s10] =	ssyncadd.s32 $0xFFFFF800  }
0x18: {  	[tilespmem:s11], [sflag:$0x3] =	stream.linear.gather [hbm4b:s4+s2], $0x80, $0x38;
	[tilespmem:$0x9A80] =	vst v63  }
0x19: {  	_ =	swait.ge [sflag:s10], $0x80  }
0x1a: {  	[sflag:s10] =	ssyncset.done $0x0  }
.Ltmp2:
0x1b: {  	[sflag:s10] =	ssyncadd.s32 $0xFFFFFF80;
	(pc) =	sbr.rel .LBB2_2-.Ltmp2, $4  }
0x1c: {  	[tilespmem:s2], [sflag:$0x3] =	stream.linear.gather [hbm4b:s7+s2], $0x1400, $0x38;
	[tilespmem:$0x9A80] =	vst v63  }
0x1d: {  	_ =	swait.ge [sflag:s10], $0x1400  }
0x1e: {  	[sflag:s10] =	ssyncset.done $0x0  }
0x1f: {  	s17 =	simm.s32 $0x0;
	[sflag:s10] =	ssyncadd.s32 $0xFFFFEC00  }
.LBB2_17:
0x20: {  	s17 =	sadd.s32 $0x1, s17  }
0x21: {  	p0 =	sne.s32 s17, $0xA  }
.Ltmp3:
0x22: {  	_ = 	snop;
	(pc) =	sbr.rel @!p0 .LBB2_18-.Ltmp3, $1  }
0x23: {  	_ =	sdelay $0x3  }
.LBB2_2:
0x24: {  	s18 =	sshll.u32 s17, $0x1  }
0x25: {  	s19 =	sadd.s32 s6, s18  }
0x26: {  	p0 =	sgt.u32 s19, $0x270  }
.Ltmp4:
0x27: {  	_ = 	snop;
	(pc) =	sbr.rel @p0 .LBB2_17-.Ltmp4, $1  }
0x28: {  	_ =	sdelay $0x3  }
0x29: {  	p0 =	seq.s32 s17, $0x0  }
0x2a: {  	s20 =	simm.s32 @!p0 $0x1  }
0x2b: {  	s21 =	sshll.u32 s17, $0x9;
	s18 =	sor.u32 $0x1, s19;
	_ =	swait.ge @!p0 [sflag:s20], $0x3E90  }
0x2c: {  	s22 =	simm.s32 $0x1CC0;
	s23 =	simm.s32 $0x2410;
	[sflag:s20] =	ssyncset.done @!p0 $0x0  }
0x2d: {  	[sflag:s20] =	ssyncadd.s32 @!p0 $0xFFFFC170;
	s20 =	sand.u32 $0x3FFFFE00, s21;
	s21 =	simm.s32 $0x0  }
.LBB2_4:
0x2e: {  	s24 =	sshll.u32 s21, $0x5  }
0x2f: {  	s25 =	sand.u32 $0x80, s24  }
0x30: {  	s24 =	sand.u32 $0x60, s24;
	s25 =	sadd.s32 s25, s20  }
0x31: {  	s24 =	sadd.s32 s24, s25  }
0x32: {  	v0 =	vld [tilespmem:s24+$0x0]  }
0x33: {  	s30 =	simm.s32 $0x1440;
	v1 =	vld [tilespmem:s24+$0x10]  }
0x34: {  	v4 =	vld [tilespmem:s30+$0x40]  }
0x35: {  	v5 =	vld [tilespmem:s30+$0xFFFFFFE0]  }
0x36: {  	v7 =	vld [tilespmem:s30+$0xFFFFFFF0]  }
0x37: {  	v3 =	vld [tilespmem:s30+$0x0]  }
0x38: {  	v0 =	vsel vm0, v0, v1;
	v1 =	vld [tilespmem:s30+$0x10]  }
0x39: {  	s31 =	smul.u32 $0x1F48, s21;
	v2 =	vld [tilespmem:s30+$0x20];
	v8 =	vsub.f32 v4, v0  }
0x3a: {  	s26 =	simm.s32 $0x1;
	v4 =	vld [tilespmem:s30+$0x30];
	v6 =	vsub.f32 v5, v0  }
0x3b: {  	s28 =	simm.s32 $0x14C0;
	s25 =	smov.u32 s22;
	s24 =	sshra.s32 s31, $0x2;
	v5 =	vld [tilespmem:s30+$0xFFFFFFD0];
	v7 =	vsub.f32 v7, v0;
	[tilespmem:s22+$0x40] =	vst v8  }
.LBB2_5:
0x3c: {  	v8 =	vld [tilespmem:s28+$0x40];
	s26 =	sadd.s32 $0x8, s26;
	[tilespmem:s25+$0xFFFFFFE0] =	vst v6;
	v3 =	vsub.f32 v3, v0  }
0x3d: {  	v6 =	vld [tilespmem:s28+$0xFFFFFFE0];
	p1 =	slt.u32 s26, $0x71;
	[tilespmem:s25+$0xFFFFFFF0] =	vst v7;
	v1 =	vsub.f32 v1, v0  }
0x3e: {  	v7 =	vld [tilespmem:s28+$0xFFFFFFF0];
	[tilespmem:s25+$0x0] =	vst v3;
	v2 =	vsub.f32 v2, v0  }
.Ltmp5:
0x3f: {  	v3 =	vld [tilespmem:s28+$0x0];
	[tilespmem:s25+$0x10] =	vst v1;
	v4 =	vsub.f32 v4, v0;
	(pc) =	sbr.rel @p1 .LBB2_5-.Ltmp5, $4  }
0x40: {  	v1 =	vld [tilespmem:s28+$0x10];
	v5 =	vsub.f32 v5, v0;
	[tilespmem:s25+$0x20] =	vst v2  }
0x41: {  	v2 =	vld [tilespmem:s28+$0x20];
	v8 =	vsub.f32 v8, v0;
	[tilespmem:s25+$0x30] =	vst v4  }
0x42: {  	v6 =	vsub.f32 v6, v0;
	v4 =	vld [tilespmem:s28+$0x30];
	[tilespmem:s25+$0xFFFFFFD0] =	vst v5;
	s25 =	sadd.s32 $0x80, s25  }
0x43: {  	s29 =	simm.s32 $0x0;
	v5 =	vld [tilespmem:s28+$0xFFFFFFD0];
	v7 =	vsub.f32 v7, v0;
	[tilespmem:s25+$0x40] =	vst v8;
	s28 =	sadd.s32 $0x80, s28  }
0x44: {  	[tilespmem:s25+$0xFFFFFFE0] =	vst v6;
	v3 =	vsub.f32 v3, v0  }
0x45: {  	[tilespmem:s25+$0xFFFFFFF0] =	vst v7;
	v1 =	vsub.f32 v1, v0  }
0x46: {  	[tilespmem:s25+$0x0] =	vst v3;
	v2 =	vsub.f32 v2, v0  }
0x47: {  	[tilespmem:s25+$0x10] =	vst v1;
	v1 =	vsub.f32 v4, v0  }
0x48: {  	v3 =	vsub.f32 v5, v0;
	[tilespmem:s25+$0x20] =	vst v2  }
0x49: {  	[tilespmem:s25+$0x30] =	vst v1  }
0x4a: {  	[tilespmem:s25+$0xFFFFFFD0] =	vst v3  }
.LBB2_7:
0x4b: {  	s25 =	sshra.s32 s29, $0x2  }
0x4c: {  	v1 =	vld [tilespmem:s25+$0x1B90];
	_ =	sdelay $0x1  }
0x4d: {  	p1 =	sne.s32 s29, $0xC0  }
.Ltmp6:
0x4e: {  	_ = 	snop;
	(pc) =	sbr.rel @p1 .LBB2_7-.Ltmp6, $4  }
0x4f: {  	_ = 	snop  }
0x50: {  	v1 =	vsub.f32 v1, v0  }
0x51: {  	s25 =	sadd.s32 s25, s23  }
0x52: {  	s29 =	sadd.s32 $0x40, s29;
	[tilespmem:s25+$0x0] =	vst v1  }
0x53: {  	v1 =	vld [tilespmem:$0x1400];
	_ =	sdelay $0x4  }
0x54: {  	v1 =	vsub.f32 v1, v0;
	_ =	sdelay $0x1  }
0x55: {  	v1 =	vsel vm1, $0x0, v1  }
0x56: {  	[tilespmem:s24+$0x1C80] =	vst v1  }
0x57: {  	v1 =	vld [tilespmem:$0x1C00]  }
0x58: {  	s21 =	sadd.s32 $0x1, s21  }
0x59: {  	p1 =	sne.s32 s21, $0x8  }
.Ltmp7:
0x5a: {  	_ = 	snop;
	(pc) =	sbr.rel @p1 .LBB2_4-.Ltmp7, $3  }
0x5b: {  	_ = 	snop  }
0x5c: {  	v63 =	vsub.f32 v1, v0;
	_ =	sdelay $0x1  }
0x5d: {  	s22 =	sadd.s32 $0x7D2, s22;
	s23 =	sadd.s32 $0x7D2, s23;
	[tilespmem:s24+$0x2442] =	vst v63  }
0x5e: {  	p1 =	sgt.u32 s18, $0x270  }
.Ltmp8:
0x5f: {  	_ = 	snop;
	(pc) =	sbr.rel @p1 .LBB2_17-.Ltmp8, $3  }
0x60: {  	s19 =	smul.u32 $0x7D2, s19;
	_ =	sdelay $0x1  }
0x61: {  	s19 =	sadd.s32 s5, s19  }
0x62: {  	[hbm4b:s19+s2] =	stream.linear.scatter [tilespmem:s12], [sflag:$0x1], $0x3E90, $0x38;
	[tilespmem:$0x9A80] =	vst v63  }
0x63: {  	s19 =	simm.s32 @!p0 $0x2  }
0x64: {  	s20 =	ssub.s32 s18, s6;
	s21 =	simm.s32 $0x5BC0;
	_ =	swait.ge @!p0 [sflag:s19], $0x3E90  }
0x65: {  	s22 =	simm.s32 $0x6310;
	s20 =	sshll.u32 s20, $0x8;
	[sflag:s19] =	ssyncset.done @!p0 $0x0  }
0x66: {  	[sflag:s19] =	ssyncadd.s32 @!p0 $0xFFFFC170;
	s19 =	sand.u32 $0x3FFFFF00, s20;
	s20 =	simm.s32 $0x0  }
.LBB2_11:
0x67: {  	s23 =	sshll.u32 s20, $0x5  }
0x68: {  	s24 =	sand.u32 $0x80, s23  }
0x69: {  	s23 =	sand.u32 $0x60, s23;
	s24 =	sadd.s32 s24, s19  }
0x6a: {  	s23 =	sadd.s32 s23, s24  }
0x6b: {  	v0 =	vld [tilespmem:s23+$0x0]  }
0x6c: {  	s30 =	simm.s32 $0x1440;
	v1 =	vld [tilespmem:s23+$0x10]  }
0x6d: {  	v4 =	vld [tilespmem:s30+$0x40]  }
0x6e: {  	v5 =	vld [tilespmem:s30+$0xFFFFFFE0]  }
0x6f: {  	v7 =	vld [tilespmem:s30+$0xFFFFFFF0]  }
0x70: {  	v3 =	vld [tilespmem:s30+$0x0]  }
0x71: {  	v0 =	vsel vm0, v0, v1;
	v1 =	vld [tilespmem:s30+$0x10]  }
0x72: {  	s31 =	smul.u32 $0x1F48, s20;
	v2 =	vld [tilespmem:s30+$0x20];
	v8 =	vsub.f32 v4, v0  }
0x73: {  	s25 =	simm.s32 $0x1;
	v4 =	vld [tilespmem:s30+$0x30];
	v6 =	vsub.f32 v5, v0  }
0x74: {  	s26 =	simm.s32 $0x14C0;
	s24 =	smov.u32 s21;
	s23 =	sshra.s32 s31, $0x2;
	v5 =	vld [tilespmem:s30+$0xFFFFFFD0];
	v7 =	vsub.f32 v7, v0;
	[tilespmem:s21+$0x40] =	vst v8  }
.LBB2_12:
0x75: {  	v8 =	vld [tilespmem:s26+$0x40];
	s25 =	sadd.s32 $0x8, s25;
	[tilespmem:s24+$0xFFFFFFE0] =	vst v6;
	v3 =	vsub.f32 v3, v0  }
0x76: {  	v6 =	vld [tilespmem:s26+$0xFFFFFFE0];
	p0 =	slt.u32 s25, $0x71;
	[tilespmem:s24+$0xFFFFFFF0] =	vst v7;
	v1 =	vsub.f32 v1, v0  }
0x77: {  	v7 =	vld [tilespmem:s26+$0xFFFFFFF0];
	[tilespmem:s24+$0x0] =	vst v3;
	v2 =	vsub.f32 v2, v0  }
.Ltmp9:
0x78: {  	v3 =	vld [tilespmem:s26+$0x0];
	[tilespmem:s24+$0x10] =	vst v1;
	v4 =	vsub.f32 v4, v0;
	(pc) =	sbr.rel @p0 .LBB2_12-.Ltmp9, $4  }
0x79: {  	v1 =	vld [tilespmem:s26+$0x10];
	v5 =	vsub.f32 v5, v0;
	[tilespmem:s24+$0x20] =	vst v2  }
0x7a: {  	v2 =	vld [tilespmem:s26+$0x20];
	v8 =	vsub.f32 v8, v0;
	[tilespmem:s24+$0x30] =	vst v4  }
0x7b: {  	v6 =	vsub.f32 v6, v0;
	v4 =	vld [tilespmem:s26+$0x30];
	[tilespmem:s24+$0xFFFFFFD0] =	vst v5;
	s24 =	sadd.s32 $0x80, s24  }
0x7c: {  	s28 =	simm.s32 $0x0;
	v5 =	vld [tilespmem:s26+$0xFFFFFFD0];
	v7 =	vsub.f32 v7, v0;
	[tilespmem:s24+$0x40] =	vst v8;
	s26 =	sadd.s32 $0x80, s26  }
0x7d: {  	[tilespmem:s24+$0xFFFFFFE0] =	vst v6;
	v3 =	vsub.f32 v3, v0  }
0x7e: {  	[tilespmem:s24+$0xFFFFFFF0] =	vst v7;
	v1 =	vsub.f32 v1, v0  }
0x7f: {  	[tilespmem:s24+$0x0] =	vst v3;
	v2 =	vsub.f32 v2, v0  }
0x80: {  	[tilespmem:s24+$0x10] =	vst v1;
	v1 =	vsub.f32 v4, v0  }
0x81: {  	v3 =	vsub.f32 v5, v0;
	[tilespmem:s24+$0x20] =	vst v2  }
0x82: {  	[tilespmem:s24+$0x30] =	vst v1  }
0x83: {  	[tilespmem:s24+$0xFFFFFFD0] =	vst v3  }
.LBB2_14:
0x84: {  	s24 =	sshra.s32 s28, $0x2  }
0x85: {  	v1 =	vld [tilespmem:s24+$0x1B90];
	_ =	sdelay $0x1  }
0x86: {  	p0 =	sne.s32 s28, $0xC0  }
.Ltmp10:
0x87: {  	_ = 	snop;
	(pc) =	sbr.rel @p0 .LBB2_14-.Ltmp10, $4  }
0x88: {  	_ = 	snop  }
0x89: {  	v1 =	vsub.f32 v1, v0  }
0x8a: {  	s24 =	sadd.s32 s24, s22  }
0x8b: {  	s28 =	sadd.s32 $0x40, s28;
	[tilespmem:s24+$0x0] =	vst v1  }
0x8c: {  	v1 =	vld [tilespmem:$0x1400];
	_ =	sdelay $0x4  }
0x8d: {  	v1 =	vsub.f32 v1, v0;
	_ =	sdelay $0x1  }
0x8e: {  	v1 =	vsel vm1, $0x0, v1  }
0x8f: {  	[tilespmem:s23+$0x5B80] =	vst v1  }
0x90: {  	v1 =	vld [tilespmem:$0x1C00]  }
0x91: {  	s20 =	sadd.s32 $0x1, s20  }
0x92: {  	p0 =	sne.s32 s20, $0x8  }
.Ltmp11:
0x93: {  	_ = 	snop;
	(pc) =	sbr.rel @p0 .LBB2_11-.Ltmp11, $3  }
0x94: {  	_ = 	snop  }
0x95: {  	v63 =	vsub.f32 v1, v0;
	_ =	sdelay $0x1  }
0x96: {  	s21 =	sadd.s32 $0x7D2, s21;
	s22 =	sadd.s32 $0x7D2, s22;
	[tilespmem:s23+$0x6342] =	vst v63  }
.Ltmp12:
0x97: {  	(pc) =	sbr.rel .LBB2_17-.Ltmp12, $3  }
0x98: {  	s18 =	smul.u32 $0x7D2, s18;
	_ =	sdelay $0x1  }
0x99: {  	s18 =	sadd.s32 s5, s18  }
0x9a: {  	[hbm4b:s18+s2] =	stream.linear.scatter [tilespmem:s13], [sflag:$0x2], $0x3E90, $0x38;
	[tilespmem:$0x9A80] =	vst v63  }
.LBB2_19:
0x9b: {  	_ =	sfence.sel $0x180000  }
0x9c: {  	[bflag:$0x0] =	sbarrier.arrive $0xFFFF  }
0x9d: {  	p0 =	sne.s32 s1, $0x0;
	_ =	strace $0x90000047  }
0x9e: {  	s0 =	sadd.s32 @!p0 $0x100000, s0;
	[bflag:$0x2] =	sbarrier.arrive $0xFFFF  }
0x9f: {  	[sflag:s0] =	ssyncadd.tile.s32 @!p0 $0x1;
	_ =	shalt  }
.Lfunc_end2:
_tile_overlayer_lowered:
.L_overlay_start_2:
0xa0: {  	(tag) =	ssettag $0x2  }
0xa1: {  	s0 =	rddreg [dreg:$0x0];
	s2 =	stileid.u32  }
0xa2: {  	s1 =	rddreg [dreg:$0x1];
	p0 =	sne.s32 s2, $0x0  }
0xa3: {  	s3 =	rddreg [dreg:$0x2];
	[bflag:$0x3] =	sbarrier.arrive $0xFFFF;
	s2 =	simm.s32 @!p0 $0x1C03  }
0xa4: {  	[timem:s3], [sflag:s2] =	dma.local @!p0 [hbm:s0], s1  }
0xa5: {  	s0 =	simm.s32 @!p0 $0x3  }
0xa6: {  	_ =	swait.ge @!p0 [sflag:s0], s1  }
0xa7: {  	s1 =	ssub.s32 @!p0 $0x0, s1;
	[sflag:s0] =	ssyncset.done @!p0 $0x0  }
0xa8: {  	[sflag:s0] =	ssyncadd.s32 @!p0 s1  }
0xa9: {  	[bflag:$0x3] =	sbarrier.arrive $0xFFFF  }
0xaa: {  	_ =	shalt  }

</sc_bundles>
